<compile_context>
chip_gen: v7x
topology: tpu7x:2x2x1
jax: 0.10.2.dev20260603
libtpu: 0.0.44.dev20260713+nightly
codegen_flags: <defaults>
</compile_context>

<pallas_src>
import functools

import jax
import jax.numpy as jnp
from jax import lax
from jax.experimental import pallas as pl
from jax.experimental.pallas import tpu as pltpu
from jax.experimental.pallas import tpu_sc as plsc

N = 10000
E = 160000
F = 256
H = 128
PW = 144
NC = 2
NS = 16
ET = E // NS
GB = 80
NG = ET // GB
NP = 10240
RT = NP // NS
ZC = 64
IC = 5
IG = NG // IC
BM = 1000


def _mm_body(x_ref, w_ref, p_ref):
    y = lax.dot_general(x_ref[...], w_ref[...],
                        (((1,), (1,)), ((), ())),
                        preferred_element_type=jnp.float32)
    pad = jnp.concatenate(
        [jnp.ones((BM, 1), jnp.float32), jnp.zeros((BM, PW - H - 1), jnp.float32)],
        axis=1)
    p_ref[0] = jnp.concatenate([y[:, :H], pad], axis=1)
    p_ref[1] = jnp.concatenate([y[:, H:], pad], axis=1)


def _mm(x, W):
    return pl.pallas_call(
        _mm_body,
        grid=(N // BM,),
        in_specs=[
            pl.BlockSpec((BM, F), lambda i: (i, 0)),
            pl.BlockSpec((F, F), lambda i: (0, 0)),
        ],
        out_specs=pl.BlockSpec((NC, BM, PW), lambda i: (0, i, 0)),
        out_shape=jax.ShapeDtypeStruct((NC, N, PW), jnp.float32),
    )(x, W)


def _sc_agg_body(p_hbm, src_hbm, dst_hbm, acc_hbm,
                 src_v, dst_v, rows_v, zbuf_v, acc_sh, sem):
    c = lax.axis_index("c")
    s = lax.axis_index("s")

    def zero_row(r, _):
        for k in range(PW // 16):
            zbuf_v[r, pl.ds(k * 16, 16)] = jnp.zeros((16,), jnp.float32)
        return 0
    lax.fori_loop(0, ZC, zero_row, 0, unroll=False)
    for q in range(RT // ZC):
        pltpu.sync_copy(zbuf_v, acc_sh.at[pl.ds(s * RT + q * ZC, ZC)])
    plsc.subcore_barrier()

    off = c * N
    for q in range(IC):
        pltpu.sync_copy(src_hbm.at[s, pl.ds(q * IG, IG)], src_v)
        pltpu.sync_copy(dst_hbm.at[s, pl.ds(q * IG, IG)], dst_v)

        def add_off(r, _):
            for k in range(GB // 16):
                v = src_v[r, pl.ds(k * 16, 16)]
                src_v[r, pl.ds(k * 16, 16)] = v + off
            return 0
        lax.fori_loop(0, IG, add_off, 0, unroll=False)

        def edge_group(g, _):
            pltpu.async_copy(p_hbm.at[src_v.at[g]], rows_v, sem).wait()
            pltpu.sync_copy(rows_v, acc_sh.at[dst_v.at[g]], add=True)
            return 0
        lax.fori_loop(0, IG, edge_group, 0, unroll=False)

    plsc.subcore_barrier()
    pltpu.sync_copy(acc_sh.at[pl.ds(s * RT, RT)],
                    acc_hbm.at[c, pl.ds(s * RT, RT)])


@functools.partial(
    pl.kernel,
    out_type=jax.ShapeDtypeStruct((NC, NP, PW), jnp.float32),
    mesh=plsc.VectorSubcoreMesh(core_axis_name="c", subcore_axis_name="s"),
    scratch_types=[
        pltpu.VMEM((IG, GB), jnp.int32),
        pltpu.VMEM((IG, GB), jnp.int32),
        pltpu.VMEM((GB, PW), jnp.float32),
        pltpu.VMEM((ZC, PW), jnp.float32),
        pltpu.VMEM_SHARED((NP, PW), jnp.float32),
        pltpu.SemaphoreType.DMA,
    ],
    compiler_params=pltpu.CompilerParams(use_tc_tiling_on_sc=False),
)
def _sc_agg(*refs):
    _sc_agg_body(*refs)


def _finish_body(acc_ref, x_ref, b_ref, o_ref):
    a0 = acc_ref[0]
    a1 = acc_ref[1]
    c0 = jnp.maximum(a0[:, H:H + 1], 1.0)
    c1 = jnp.maximum(a1[:, H:H + 1], 1.0)
    neigh = jnp.concatenate([a0[:, :H] / c0, a1[:, :H] / c1], axis=1)
    self_t = lax.dot_general(x_ref[...], b_ref[...],
                             (((1,), (1,)), ((), ())),
                             preferred_element_type=jnp.float32)
    o_ref[...] = neigh + self_t


def _finish(acc, x, B):
    return pl.pallas_call(
        _finish_body,
        grid=(N // BM,),
        in_specs=[
            pl.BlockSpec((NC, BM, PW), lambda i: (0, i, 0)),
            pl.BlockSpec((BM, F), lambda i: (i, 0)),
            pl.BlockSpec((F, F), lambda i: (0, 0)),
        ],
        out_specs=pl.BlockSpec((BM, F), lambda i: (i, 0)),
        out_shape=jax.ShapeDtypeStruct((N, F), jnp.float32),
    )(acc, x, B)


def kernel(x, edge_index, W, B):
    src = edge_index[0].astype(jnp.int32).reshape(NS, NG, GB)
    dst = edge_index[1].astype(jnp.int32).reshape(NS, NG, GB)
    p = _mm(x, W).reshape(NC * N, PW)
    acc = _sc_agg(p, src, dst)
    return _finish(acc, x, B)

# --- scband reference (transcript-rebuilt; emitter-appended) ---
"""Pipeline reference for scband-message-graph-convolution-46162308497841 (READ-ONLY COPY).

The authoritative reference and input builder live on the scoring server;
editing this copy changes nothing except your own understanding.
"""

import jax, jax.numpy as jnp
import numpy as np

IN_FEATURES = 256
OUT_FEATURES = 256
N_NODES = 10000
N_EDGES = 160000


def setup_inputs(seed: int = 0) -> dict:
    key = jax.random.key(seed)
    k1, k2, k3 = jax.random.split(key, 3)
    x = jax.random.normal(k1, (N_NODES, IN_FEATURES), dtype=jnp.float32)
    edge_index = jax.random.randint(k2, (2, N_EDGES), 0, N_NODES, dtype=jnp.int64)
    # xavier_uniform init for W: bound = sqrt(6 / (fan_in + fan_out))
    bound = float(np.sqrt(6.0 / (IN_FEATURES + OUT_FEATURES)))
    W = jax.random.uniform(k3, (OUT_FEATURES, IN_FEATURES), dtype=jnp.float32, minval=-bound, maxval=bound)
    B = jnp.zeros((OUT_FEATURES, IN_FEATURES), dtype=jnp.float32)
    return {"x": x, "edge_index": edge_index, "W": W, "B": B}


def reference(x, edge_index, W, B):
    num_nodes = x.shape[0]
    sources = edge_index[0]
    destinations = edge_index[1]
    # message: gather source node features per edge
    messages = x[sources]
    # scatter-add to destination nodes (mean aggregation)
    aggregated = jax.ops.segment_sum(messages, destinations, num_segments=num_nodes)
    ones = jnp.ones((messages.shape[0], 1), dtype=x.dtype)
    sum_weight = jax.ops.segment_sum(ones, destinations, num_segments=num_nodes)
    sum_weight = jnp.where(sum_weight == 0, jnp.ones_like(sum_weight), sum_weight)
    aggregated = aggregated / sum_weight
    # update
    neighbor_term = aggregated @ W.T
    self_term = x @ B.T
    return neighbor_term + self_term

if __name__ == "__main__":
    import jax
    _d = setup_inputs()
    print(jax.jit(kernel)(*tuple(_d.values())))

</pallas_src>

<mosaic_0001>
#map = affine_map<(d0, d1) -> (0, 0)>
#map1 = affine_map<(d0, d1) -> (0, 0, 0)>
module attributes {stable_mosaic.version = 14 : i64} {
  func.func @_sc_agg(%arg0: i32, %arg1: i32, %arg2: memref<20000x144xf32, #tpu.memory_space<hbm>>, %arg3: memref<16x125x80xi32, #tpu.memory_space<hbm>>, %arg4: memref<16x125x80xi32, #tpu.memory_space<hbm>>, %arg5: memref<2x10240x144xf32, #tpu.memory_space<hbm>>, %arg6: memref<25x80xi32, #tpu.memory_space<vmem>>, %arg7: memref<25x80xi32, #tpu.memory_space<vmem>>, %arg8: memref<80x144xf32, #tpu.memory_space<vmem>>, %arg9: memref<64x144xf32, #tpu.memory_space<vmem>>, %arg10: memref<10240x144xf32, #tpu.memory_space<vmem_shared>>, %arg11: memref<!tpu.dma_semaphore, #tpu.memory_space<semaphore_mem>>) attributes {dimension_semantics = [#tpu.dimension_semantics<core_parallel>, #tpu.dimension_semantics<subcore_parallel>], iteration_bounds = array<i64: 2, 16>, scalar_prefetch = 0 : i64, scratch_operands = 6 : i64, tpu.core_type = #tpu.core_type<sc_vector_subcore>, window_params = [{transform_indices = #map}, {transform_indices = #map1}, {transform_indices = #map1}, {transform_indices = #map1}]} {
    %scan3A = arith.constant 0 : i32
    %scan3A_0 = arith.constant 0 : i32
    %scan3A_1 = arith.constant 64 : i32
    %scan3A_2 = arith.addi %scan3A_0, %scan3A_1 : i32
    %scan3A_3 = arith.constant 1 : i32
    %scan3A_4 = scf.for %scan3A_121 = %scan3A_0 to %scan3A_2 step %scan3A_3 iter_args(%scan3A_122 = %scan3A) -> (i32)  : i32 {
      %broadcast_in_dim3A = arith.constant 0.000000e+00 : f32
      %broadcast_in_dim3A_123 = vector.broadcast %broadcast_in_dim3A : f32 to vector<16xf32>
      %swap3A = arith.index_cast %scan3A_121 : i32 to index
      %swap3A_124 = arith.constant 0 : index
      %swap3A_125 = tpu.vector_load %arg9[%swap3A, %swap3A_124] {strides = array<i32>} : memref<64x144xf32, #tpu.memory_space<vmem>>, vector<1x16xf32>,
      %swap3A_126 = vector.shape_cast %swap3A_125 : vector<1x16xf32> to vector<16xf32>
      %swap3A_127 = vector.shape_cast %broadcast_in_dim3A_123 : vector<16xf32> to vector<1x16xf32>
      tpu.vector_store %arg9[%swap3A, %swap3A_124], %swap3A_127 {strides = array<i32>} : memref<64x144xf32, #tpu.memory_space<vmem>>, vector<1x16xf32>,
      %broadcast_in_dim3A_128 = arith.constant 0.000000e+00 : f32
      %broadcast_in_dim3A_129 = vector.broadcast %broadcast_in_dim3A_128 : f32 to vector<16xf32>
      %swap3A_130 = arith.index_cast %scan3A_121 : i32 to index
      %swap3A_131 = arith.constant 16 : index
      %swap3A_132 = tpu.vector_load %arg9[%swap3A_130, %swap3A_131] {strides = array<i32>} : memref<64x144xf32, #tpu.memory_space<vmem>>, vector<1x16xf32>,
      %swap3A_133 = vector.shape_cast %swap3A_132 : vector<1x16xf32> to vector<16xf32>
      %swap3A_134 = vector.shape_cast %broadcast_in_dim3A_129 : vector<16xf32> to vector<1x16xf32>
      tpu.vector_store %arg9[%swap3A_130, %swap3A_131], %swap3A_134 {strides = array<i32>} : memref<64x144xf32, #tpu.memory_space<vmem>>, vector<1x16xf32>,
      %broadcast_in_dim3A_135 = arith.constant 0.000000e+00 : f32
      %broadcast_in_dim3A_136 = vector.broadcast %broadcast_in_dim3A_135 : f32 to vector<16xf32>
      %swap3A_137 = arith.index_cast %scan3A_121 : i32 to index
      %swap3A_138 = arith.constant 32 : index
      %swap3A_139 = tpu.vector_load %arg9[%swap3A_137, %swap3A_138] {strides = array<i32>} : memref<64x144xf32, #tpu.memory_space<vmem>>, vector<1x16xf32>,
      %swap3A_140 = vector.shape_cast %swap3A_139 : vector<1x16xf32> to vector<16xf32>
      %swap3A_141 = vector.shape_cast %broadcast_in_dim3A_136 : vector<16xf32> to vector<1x16xf32>
      tpu.vector_store %arg9[%swap3A_137, %swap3A_138], %swap3A_141 {strides = array<i32>} : memref<64x144xf32, #tpu.memory_space<vmem>>, vector<1x16xf32>,
      %broadcast_in_dim3A_142 = arith.constant 0.000000e+00 : f32
      %broadcast_in_dim3A_143 = vector.broadcast %broadcast_in_dim3A_142 : f32 to vector<16xf32>
      %swap3A_144 = arith.index_cast %scan3A_121 : i32 to index
      %swap3A_145 = arith.constant 48 : index
      %swap3A_146 = tpu.vector_load %arg9[%swap3A_144, %swap3A_145] {strides = array<i32>} : memref<64x144xf32, #tpu.memory_space<vmem>>, vector<1x16xf32>,
      %swap3A_147 = vector.shape_cast %swap3A_146 : vector<1x16xf32> to vector<16xf32>
      %swap3A_148 = vector.shape_cast %broadcast_in_dim3A_143 : vector<16xf32> to vector<1x16xf32>
      tpu.vector_store %arg9[%swap3A_144, %swap3A_145], %swap3A_148 {strides = array<i32>} : memref<64x144xf32, #tpu.memory_space<vmem>>, vector<1x16xf32>,
      %broadcast_in_dim3A_149 = arith.constant 0.000000e+00 : f32
      %broadcast_in_dim3A_150 = vector.broadcast %broadcast_in_dim3A_149 : f32 to vector<16xf32>
      %swap3A_151 = arith.index_cast %scan3A_121 : i32 to index
      %swap3A_152 = arith.constant 64 : index
      %swap3A_153 = tpu.vector_load %arg9[%swap3A_151, %swap3A_152] {strides = array<i32>} : memref<64x144xf32, #tpu.memory_space<vmem>>, vector<1x16xf32>,
      %swap3A_154 = vector.shape_cast %swap3A_153 : vector<1x16xf32> to vector<16xf32>
      %swap3A_155 = vector.shape_cast %broadcast_in_dim3A_150 : vector<16xf32> to vector<1x16xf32>
      tpu.vector_store %arg9[%swap3A_151, %swap3A_152], %swap3A_155 {strides = array<i32>} : memref<64x144xf32, #tpu.memory_space<vmem>>, vector<1x16xf32>,
      %broadcast_in_dim3A_156 = arith.constant 0.000000e+00 : f32
      %broadcast_in_dim3A_157 = vector.broadcast %broadcast_in_dim3A_156 : f32 to vector<16xf32>
      %swap3A_158 = arith.index_cast %scan3A_121 : i32 to index
      %swap3A_159 = arith.constant 80 : index
      %swap3A_160 = tpu.vector_load %arg9[%swap3A_158, %swap3A_159] {strides = array<i32>} : memref<64x144xf32, #tpu.memory_space<vmem>>, vector<1x16xf32>,
      %swap3A_161 = vector.shape_cast %swap3A_160 : vector<1x16xf32> to vector<16xf32>
      %swap3A_162 = vector.shape_cast %broadcast_in_dim3A_157 : vector<16xf32> to vector<1x16xf32>
      tpu.vector_store %arg9[%swap3A_158, %swap3A_159], %swap3A_162 {strides = array<i32>} : memref<64x144xf32, #tpu.memory_space<vmem>>, vector<1x16xf32>,
      %broadcast_in_dim3A_163 = arith.constant 0.000000e+00 : f32
      %broadcast_in_dim3A_164 = vector.broadcast %broadcast_in_dim3A_163 : f32 to vector<16xf32>
      %swap3A_165 = arith.index_cast %scan3A_121 : i32 to index
      %swap3A_166 = arith.constant 96 : index
      %swap3A_167 = tpu.vector_load %arg9[%swap3A_165, %swap3A_166] {strides = array<i32>} : memref<64x144xf32, #tpu.memory_space<vmem>>, vector<1x16xf32>,
      %swap3A_168 = vector.shape_cast %swap3A_167 : vector<1x16xf32> to vector<16xf32>
      %swap3A_169 = vector.shape_cast %broadcast_in_dim3A_164 : vector<16xf32> to vector<1x16xf32>
      tpu.vector_store %arg9[%swap3A_165, %swap3A_166], %swap3A_169 {strides = array<i32>} : memref<64x144xf32, #tpu.memory_space<vmem>>, vector<1x16xf32>,
      %broadcast_in_dim3A_170 = arith.constant 0.000000e+00 : f32
      %broadcast_in_dim3A_171 = vector.broadcast %broadcast_in_dim3A_170 : f32 to vector<16xf32>
      %swap3A_172 = arith.index_cast %scan3A_121 : i32 to index
      %swap3A_173 = arith.constant 112 : index
      %swap3A_174 = tpu.vector_load %arg9[%swap3A_172, %swap3A_173] {strides = array<i32>} : memref<64x144xf32, #tpu.memory_space<vmem>>, vector<1x16xf32>,
      %swap3A_175 = vector.shape_cast %swap3A_174 : vector<1x16xf32> to vector<16xf32>
      %swap3A_176 = vector.shape_cast %broadcast_in_dim3A_171 : vector<16xf32> to vector<1x16xf32>
      tpu.vector_store %arg9[%swap3A_172, %swap3A_173], %swap3A_176 {strides = array<i32>} : memref<64x144xf32, #tpu.memory_space<vmem>>, vector<1x16xf32>,
      %broadcast_in_dim3A_177 = arith.constant 0.000000e+00 : f32
      %broadcast_in_dim3A_178 = vector.broadcast %broadcast_in_dim3A_177 : f32 to vector<16xf32>
      %swap3A_179 = arith.index_cast %scan3A_121 : i32 to index
      %swap3A_180 = arith.constant 128 : index
      %swap3A_181 = tpu.vector_load %arg9[%swap3A_179, %swap3A_180] {strides = array<i32>} : memref<64x144xf32, #tpu.memory_space<vmem>>, vector<1x16xf32>,
      %swap3A_182 = vector.shape_cast %swap3A_181 : vector<1x16xf32> to vector<16xf32>
      %swap3A_183 = vector.shape_cast %broadcast_in_dim3A_178 : vector<16xf32> to vector<1x16xf32>
      tpu.vector_store %arg9[%swap3A_179, %swap3A_180], %swap3A_183 {strides = array<i32>} : memref<64x144xf32, #tpu.memory_space<vmem>>, vector<1x16xf32>,
      %scan3A_184 = arith.constant 0 : i32
      scf.yield %scan3A_184 : i32
    }
    %scan3A_5 = arith.constant 64 : i32
    %mul3A = arith.constant 640 : i32
    %mul3A_6 = arith.muli %arg1, %mul3A : i32
    %add3A = arith.constant 0 : i32
    %add3A_7 = arith.addi %mul3A_6, %add3A : i32
    "tpu.region"() ({
      %run_scoped3A = tpu.sem_alloc : memref<!tpu.dma_semaphore, #tpu.memory_space<semaphore_mem>>
      %dma_start3A = arith.constant 0 : i32
      %dma_start3A_121 = tpu.memref_slice %arg10[%add3A_7, %dma_start3A] : memref<10240x144xf32, #tpu.memory_space<vmem_shared>> -> memref<64x144xf32, #tpu.memory_space<vmem_shared>>
      %dma_start3A_122 = arith.constant 0 : i32
      %dma_start3A_123 = tpu.memref_slice %arg10[%add3A_7, %dma_start3A_122] : memref<10240x144xf32, #tpu.memory_space<vmem_shared>> -> memref<64x144xf32, #tpu.memory_space<vmem_shared>>
      tpu.enqueue_dma source(%arg9 : memref<64x144xf32, #tpu.memory_space<vmem>>) target(%dma_start3A_123 : memref<64x144xf32, #tpu.memory_space<vmem_shared>>) target_semaphore(%run_scoped3A : memref<!tpu.dma_semaphore, #tpu.memory_space<semaphore_mem>>)
      %dma_wait3A = arith.constant 0 : i32
      %dma_wait3A_124 = tpu.memref_slice %arg10[%add3A_7, %dma_wait3A] : memref<10240x144xf32, #tpu.memory_space<vmem_shared>> -> memref<64x144xf32, #tpu.memory_space<vmem_shared>>
      %dma_wait3A_125 = arith.constant 0 : i32
      %dma_wait3A_126 = tpu.memref_slice %arg10[%add3A_7, %dma_wait3A_125] : memref<10240x144xf32, #tpu.memory_space<vmem_shared>> -> memref<64x144xf32, #tpu.memory_space<vmem_shared>>
      tpu.wait_dma2 semaphore(%run_scoped3A : memref<!tpu.dma_semaphore, #tpu.memory_space<semaphore_mem>>) src(%arg9 : memref<64x144xf32, #tpu.memory_space<vmem>>) dst(%dma_wait3A_126 : memref<64x144xf32, #tpu.memory_space<vmem_shared>>)
      tpu.yield
    }) : () -> ()
    %mul3A_8 = arith.constant 640 : i32
    %mul3A_9 = arith.muli %arg1, %mul3A_8 : i32
    %add3A_10 = arith.constant 64 : i32
    %add3A_11 = arith.addi %mul3A_9, %add3A_10 : i32
    "tpu.region"() ({
      %run_scoped3A = tpu.sem_alloc : memref<!tpu.dma_semaphore, #tpu.memory_space<semaphore_mem>>
      %dma_start3A = arith.constant 0 : i32
      %dma_start3A_121 = tpu.memref_slice %arg10[%add3A_11, %dma_start3A] : memref<10240x144xf32, #tpu.memory_space<vmem_shared>> -> memref<64x144xf32, #tpu.memory_space<vmem_shared>>
      %dma_start3A_122 = arith.constant 0 : i32
      %dma_start3A_123 = tpu.memref_slice %arg10[%add3A_11, %dma_start3A_122] : memref<10240x144xf32, #tpu.memory_space<vmem_shared>> -> memref<64x144xf32, #tpu.memory_space<vmem_shared>>
      tpu.enqueue_dma source(%arg9 : memref<64x144xf32, #tpu.memory_space<vmem>>) target(%dma_start3A_123 : memref<64x144xf32, #tpu.memory_space<vmem_shared>>) target_semaphore(%run_scoped3A : memref<!tpu.dma_semaphore, #tpu.memory_space<semaphore_mem>>)
      %dma_wait3A = arith.constant 0 : i32
      %dma_wait3A_124 = tpu.memref_slice %arg10[%add3A_11, %dma_wait3A] : memref<10240x144xf32, #tpu.memory_space<vmem_shared>> -> memref<64x144xf32, #tpu.memory_space<vmem_shared>>
      %dma_wait3A_125 = arith.constant 0 : i32
      %dma_wait3A_126 = tpu.memref_slice %arg10[%add3A_11, %dma_wait3A_125] : memref<10240x144xf32, #tpu.memory_space<vmem_shared>> -> memref<64x144xf32, #tpu.memory_space<vmem_shared>>
      tpu.wait_dma2 semaphore(%run_scoped3A : memref<!tpu.dma_semaphore, #tpu.memory_space<semaphore_mem>>) src(%arg9 : memref<64x144xf32, #tpu.memory_space<vmem>>) dst(%dma_wait3A_126 : memref<64x144xf32, #tpu.memory_space<vmem_shared>>)
      tpu.yield
    }) : () -> ()
    %mul3A_12 = arith.constant 640 : i32
    %mul3A_13 = arith.muli %arg1, %mul3A_12 : i32
    %add3A_14 = arith.constant 128 : i32
    %add3A_15 = arith.addi %mul3A_13, %add3A_14 : i32
    "tpu.region"() ({
      %run_scoped3A = tpu.sem_alloc : memref<!tpu.dma_semaphore, #tpu.memory_space<semaphore_mem>>
      %dma_start3A = arith.constant 0 : i32
      %dma_start3A_121 = tpu.memref_slice %arg10[%add3A_15, %dma_start3A] : memref<10240x144xf32, #tpu.memory_space<vmem_shared>> -> memref<64x144xf32, #tpu.memory_space<vmem_shared>>
      %dma_start3A_122 = arith.constant 0 : i32
      %dma_start3A_123 = tpu.memref_slice %arg10[%add3A_15, %dma_start3A_122] : memref<10240x144xf32, #tpu.memory_space<vmem_shared>> -> memref<64x144xf32, #tpu.memory_space<vmem_shared>>
      tpu.enqueue_dma source(%arg9 : memref<64x144xf32, #tpu.memory_space<vmem>>) target(%dma_start3A_123 : memref<64x144xf32, #tpu.memory_space<vmem_shared>>) target_semaphore(%run_scoped3A : memref<!tpu.dma_semaphore, #tpu.memory_space<semaphore_mem>>)
      %dma_wait3A = arith.constant 0 : i32
      %dma_wait3A_124 = tpu.memref_slice %arg10[%add3A_15, %dma_wait3A] : memref<10240x144xf32, #tpu.memory_space<vmem_shared>> -> memref<64x144xf32, #tpu.memory_space<vmem_shared>>
      %dma_wait3A_125 = arith.constant 0 : i32
      %dma_wait3A_126 = tpu.memref_slice %arg10[%add3A_15, %dma_wait3A_125] : memref<10240x144xf32, #tpu.memory_space<vmem_shared>> -> memref<64x144xf32, #tpu.memory_space<vmem_shared>>
      tpu.wait_dma2 semaphore(%run_scoped3A : memref<!tpu.dma_semaphore, #tpu.memory_space<semaphore_mem>>) src(%arg9 : memref<64x144xf32, #tpu.memory_space<vmem>>) dst(%dma_wait3A_126 : memref<64x144xf32, #tpu.memory_space<vmem_shared>>)
      tpu.yield
    }) : () -> ()
    %mul3A_16 = arith.constant 640 : i32
    %mul3A_17 = arith.muli %arg1, %mul3A_16 : i32
    %add3A_18 = arith.constant 192 : i32
    %add3A_19 = arith.addi %mul3A_17, %add3A_18 : i32
    "tpu.region"() ({
      %run_scoped3A = tpu.sem_alloc : memref<!tpu.dma_semaphore, #tpu.memory_space<semaphore_mem>>
      %dma_start3A = arith.constant 0 : i32
      %dma_start3A_121 = tpu.memref_slice %arg10[%add3A_19, %dma_start3A] : memref<10240x144xf32, #tpu.memory_space<vmem_shared>> -> memref<64x144xf32, #tpu.memory_space<vmem_shared>>
      %dma_start3A_122 = arith.constant 0 : i32
      %dma_start3A_123 = tpu.memref_slice %arg10[%add3A_19, %dma_start3A_122] : memref<10240x144xf32, #tpu.memory_space<vmem_shared>> -> memref<64x144xf32, #tpu.memory_space<vmem_shared>>
      tpu.enqueue_dma source(%arg9 : memref<64x144xf32, #tpu.memory_space<vmem>>) target(%dma_start3A_123 : memref<64x144xf32, #tpu.memory_space<vmem_shared>>) target_semaphore(%run_scoped3A : memref<!tpu.dma_semaphore, #tpu.memory_space<semaphore_mem>>)
      %dma_wait3A = arith.constant 0 : i32
      %dma_wait3A_124 = tpu.memref_slice %arg10[%add3A_19, %dma_wait3A] : memref<10240x144xf32, #tpu.memory_space<vmem_shared>> -> memref<64x144xf32, #tpu.memory_space<vmem_shared>>
      %dma_wait3A_125 = arith.constant 0 : i32
      %dma_wait3A_126 = tpu.memref_slice %arg10[%add3A_19, %dma_wait3A_125] : memref<10240x144xf32, #tpu.memory_space<vmem_shared>> -> memref<64x144xf32, #tpu.memory_space<vmem_shared>>
      tpu.wait_dma2 semaphore(%run_scoped3A : memref<!tpu.dma_semaphore, #tpu.memory_space<semaphore_mem>>) src(%arg9 : memref<64x144xf32, #tpu.memory_space<vmem>>) dst(%dma_wait3A_126 : memref<64x144xf32, #tpu.memory_space<vmem_shared>>)
      tpu.yield
    }) : () -> ()
    %mul3A_20 = arith.constant 640 : i32
    %mul3A_21 = arith.muli %arg1, %mul3A_20 : i32
    %add3A_22 = arith.constant 256 : i32
    %add3A_23 = arith.addi %mul3A_21, %add3A_22 : i32
    "tpu.region"() ({
      %run_scoped3A = tpu.sem_alloc : memref<!tpu.dma_semaphore, #tpu.memory_space<semaphore_mem>>
      %dma_start3A = arith.constant 0 : i32
      %dma_start3A_121 = tpu.memref_slice %arg10[%add3A_23, %dma_start3A] : memref<10240x144xf32, #tpu.memory_space<vmem_shared>> -> memref<64x144xf32, #tpu.memory_space<vmem_shared>>
      %dma_start3A_122 = arith.constant 0 : i32
      %dma_start3A_123 = tpu.memref_slice %arg10[%add3A_23, %dma_start3A_122] : memref<10240x144xf32, #tpu.memory_space<vmem_shared>> -> memref<64x144xf32, #tpu.memory_space<vmem_shared>>
      tpu.enqueue_dma source(%arg9 : memref<64x144xf32, #tpu.memory_space<vmem>>) target(%dma_start3A_123 : memref<64x144xf32, #tpu.memory_space<vmem_shared>>) target_semaphore(%run_scoped3A : memref<!tpu.dma_semaphore, #tpu.memory_space<semaphore_mem>>)
      %dma_wait3A = arith.constant 0 : i32
      %dma_wait3A_124 = tpu.memref_slice %arg10[%add3A_23, %dma_wait3A] : memref<10240x144xf32, #tpu.memory_space<vmem_shared>> -> memref<64x144xf32, #tpu.memory_space<vmem_shared>>
      %dma_wait3A_125 = arith.constant 0 : i32
      %dma_wait3A_126 = tpu.memref_slice %arg10[%add3A_23, %dma_wait3A_125] : memref<10240x144xf32, #tpu.memory_space<vmem_shared>> -> memref<64x144xf32, #tpu.memory_space<vmem_shared>>
      tpu.wait_dma2 semaphore(%run_scoped3A : memref<!tpu.dma_semaphore, #tpu.memory_space<semaphore_mem>>) src(%arg9 : memref<64x144xf32, #tpu.memory_space<vmem>>) dst(%dma_wait3A_126 : memref<64x144xf32, #tpu.memory_space<vmem_shared>>)
      tpu.yield
    }) : () -> ()
    %mul3A_24 = arith.constant 640 : i32
    %mul3A_25 = arith.muli %arg1, %mul3A_24 : i32
    %add3A_26 = arith.constant 320 : i32
    %add3A_27 = arith.addi %mul3A_25, %add3A_26 : i32
    "tpu.region"() ({
      %run_scoped3A = tpu.sem_alloc : memref<!tpu.dma_semaphore, #tpu.memory_space<semaphore_mem>>
      %dma_start3A = arith.constant 0 : i32
      %dma_start3A_121 = tpu.memref_slice %arg10[%add3A_27, %dma_start3A] : memref<10240x144xf32, #tpu.memory_space<vmem_shared>> -> memref<64x144xf32, #tpu.memory_space<vmem_shared>>
      %dma_start3A_122 = arith.constant 0 : i32
      %dma_start3A_123 = tpu.memref_slice %arg10[%add3A_27, %dma_start3A_122] : memref<10240x144xf32, #tpu.memory_space<vmem_shared>> -> memref<64x144xf32, #tpu.memory_space<vmem_shared>>
      tpu.enqueue_dma source(%arg9 : memref<64x144xf32, #tpu.memory_space<vmem>>) target(%dma_start3A_123 : memref<64x144xf32, #tpu.memory_space<vmem_shared>>) target_semaphore(%run_scoped3A : memref<!tpu.dma_semaphore, #tpu.memory_space<semaphore_mem>>)
      %dma_wait3A = arith.constant 0 : i32
      %dma_wait3A_124 = tpu.memref_slice %arg10[%add3A_27, %dma_wait3A] : memref<10240x144xf32, #tpu.memory_space<vmem_shared>> -> memref<64x144xf32, #tpu.memory_space<vmem_shared>>
      %dma_wait3A_125 = arith.constant 0 : i32
      %dma_wait3A_126 = tpu.memref_slice %arg10[%add3A_27, %dma_wait3A_125] : memref<10240x144xf32, #tpu.memory_space<vmem_shared>> -> memref<64x144xf32, #tpu.memory_space<vmem_shared>>
      tpu.wait_dma2 semaphore(%run_scoped3A : memref<!tpu.dma_semaphore, #tpu.memory_space<semaphore_mem>>) src(%arg9 : memref<64x144xf32, #tpu.memory_space<vmem>>) dst(%dma_wait3A_126 : memref<64x144xf32, #tpu.memory_space<vmem_shared>>)
      tpu.yield
    }) : () -> ()
    %mul3A_28 = arith.constant 640 : i32
    %mul3A_29 = arith.muli %arg1, %mul3A_28 : i32
    %add3A_30 = arith.constant 384 : i32
    %add3A_31 = arith.addi %mul3A_29, %add3A_30 : i32
    "tpu.region"() ({
      %run_scoped3A = tpu.sem_alloc : memref<!tpu.dma_semaphore, #tpu.memory_space<semaphore_mem>>
      %dma_start3A = arith.constant 0 : i32
      %dma_start3A_121 = tpu.memref_slice %arg10[%add3A_31, %dma_start3A] : memref<10240x144xf32, #tpu.memory_space<vmem_shared>> -> memref<64x144xf32, #tpu.memory_space<vmem_shared>>
      %dma_start3A_122 = arith.constant 0 : i32
      %dma_start3A_123 = tpu.memref_slice %arg10[%add3A_31, %dma_start3A_122] : memref<10240x144xf32, #tpu.memory_space<vmem_shared>> -> memref<64x144xf32, #tpu.memory_space<vmem_shared>>
      tpu.enqueue_dma source(%arg9 : memref<64x144xf32, #tpu.memory_space<vmem>>) target(%dma_start3A_123 : memref<64x144xf32, #tpu.memory_space<vmem_shared>>) target_semaphore(%run_scoped3A : memref<!tpu.dma_semaphore, #tpu.memory_space<semaphore_mem>>)
      %dma_wait3A = arith.constant 0 : i32
      %dma_wait3A_124 = tpu.memref_slice %arg10[%add3A_31, %dma_wait3A] : memref<10240x144xf32, #tpu.memory_space<vmem_shared>> -> memref<64x144xf32, #tpu.memory_space<vmem_shared>>
      %dma_wait3A_125 = arith.constant 0 : i32
      %dma_wait3A_126 = tpu.memref_slice %arg10[%add3A_31, %dma_wait3A_125] : memref<10240x144xf32, #tpu.memory_space<vmem_shared>> -> memref<64x144xf32, #tpu.memory_space<vmem_shared>>
      tpu.wait_dma2 semaphore(%run_scoped3A : memref<!tpu.dma_semaphore, #tpu.memory_space<semaphore_mem>>) src(%arg9 : memref<64x144xf32, #tpu.memory_space<vmem>>) dst(%dma_wait3A_126 : memref<64x144xf32, #tpu.memory_space<vmem_shared>>)
      tpu.yield
    }) : () -> ()
    %mul3A_32 = arith.constant 640 : i32
    %mul3A_33 = arith.muli %arg1, %mul3A_32 : i32
    %add3A_34 = arith.constant 448 : i32
    %add3A_35 = arith.addi %mul3A_33, %add3A_34 : i32
    "tpu.region"() ({
      %run_scoped3A = tpu.sem_alloc : memref<!tpu.dma_semaphore, #tpu.memory_space<semaphore_mem>>
      %dma_start3A = arith.constant 0 : i32
      %dma_start3A_121 = tpu.memref_slice %arg10[%add3A_35, %dma_start3A] : memref<10240x144xf32, #tpu.memory_space<vmem_shared>> -> memref<64x144xf32, #tpu.memory_space<vmem_shared>>
      %dma_start3A_122 = arith.constant 0 : i32
      %dma_start3A_123 = tpu.memref_slice %arg10[%add3A_35, %dma_start3A_122] : memref<10240x144xf32, #tpu.memory_space<vmem_shared>> -> memref<64x144xf32, #tpu.memory_space<vmem_shared>>
      tpu.enqueue_dma source(%arg9 : memref<64x144xf32, #tpu.memory_space<vmem>>) target(%dma_start3A_123 : memref<64x144xf32, #tpu.memory_space<vmem_shared>>) target_semaphore(%run_scoped3A : memref<!tpu.dma_semaphore, #tpu.memory_space<semaphore_mem>>)
      %dma_wait3A = arith.constant 0 : i32
      %dma_wait3A_124 = tpu.memref_slice %arg10[%add3A_35, %dma_wait3A] : memref<10240x144xf32, #tpu.memory_space<vmem_shared>> -> memref<64x144xf32, #tpu.memory_space<vmem_shared>>
      %dma_wait3A_125 = arith.constant 0 : i32
      %dma_wait3A_126 = tpu.memref_slice %arg10[%add3A_35, %dma_wait3A_125] : memref<10240x144xf32, #tpu.memory_space<vmem_shared>> -> memref<64x144xf32, #tpu.memory_space<vmem_shared>>
      tpu.wait_dma2 semaphore(%run_scoped3A : memref<!tpu.dma_semaphore, #tpu.memory_space<semaphore_mem>>) src(%arg9 : memref<64x144xf32, #tpu.memory_space<vmem>>) dst(%dma_wait3A_126 : memref<64x144xf32, #tpu.memory_space<vmem_shared>>)
      tpu.yield
    }) : () -> ()
    %mul3A_36 = arith.constant 640 : i32
    %mul3A_37 = arith.muli %arg1, %mul3A_36 : i32
    %add3A_38 = arith.constant 512 : i32
    %add3A_39 = arith.addi %mul3A_37, %add3A_38 : i32
    "tpu.region"() ({
      %run_scoped3A = tpu.sem_alloc : memref<!tpu.dma_semaphore, #tpu.memory_space<semaphore_mem>>
      %dma_start3A = arith.constant 0 : i32
      %dma_start3A_121 = tpu.memref_slice %arg10[%add3A_39, %dma_start3A] : memref<10240x144xf32, #tpu.memory_space<vmem_shared>> -> memref<64x144xf32, #tpu.memory_space<vmem_shared>>
      %dma_start3A_122 = arith.constant 0 : i32
      %dma_start3A_123 = tpu.memref_slice %arg10[%add3A_39, %dma_start3A_122] : memref<10240x144xf32, #tpu.memory_space<vmem_shared>> -> memref<64x144xf32, #tpu.memory_space<vmem_shared>>
      tpu.enqueue_dma source(%arg9 : memref<64x144xf32, #tpu.memory_space<vmem>>) target(%dma_start3A_123 : memref<64x144xf32, #tpu.memory_space<vmem_shared>>) target_semaphore(%run_scoped3A : memref<!tpu.dma_semaphore, #tpu.memory_space<semaphore_mem>>)
      %dma_wait3A = arith.constant 0 : i32
      %dma_wait3A_124 = tpu.memref_slice %arg10[%add3A_39, %dma_wait3A] : memref<10240x144xf32, #tpu.memory_space<vmem_shared>> -> memref<64x144xf32, #tpu.memory_space<vmem_shared>>
      %dma_wait3A_125 = arith.constant 0 : i32
      %dma_wait3A_126 = tpu.memref_slice %arg10[%add3A_39, %dma_wait3A_125] : memref<10240x144xf32, #tpu.memory_space<vmem_shared>> -> memref<64x144xf32, #tpu.memory_space<vmem_shared>>
      tpu.wait_dma2 semaphore(%run_scoped3A : memref<!tpu.dma_semaphore, #tpu.memory_space<semaphore_mem>>) src(%arg9 : memref<64x144xf32, #tpu.memory_space<vmem>>) dst(%dma_wait3A_126 : memref<64x144xf32, #tpu.memory_space<vmem_shared>>)
      tpu.yield
    }) : () -> ()
    %mul3A_40 = arith.constant 640 : i32
    %mul3A_41 = arith.muli %arg1, %mul3A_40 : i32
    %add3A_42 = arith.constant 576 : i32
    %add3A_43 = arith.addi %mul3A_41, %add3A_42 : i32
    "tpu.region"() ({
      %run_scoped3A = tpu.sem_alloc : memref<!tpu.dma_semaphore, #tpu.memory_space<semaphore_mem>>
      %dma_start3A = arith.constant 0 : i32
      %dma_start3A_121 = tpu.memref_slice %arg10[%add3A_43, %dma_start3A] : memref<10240x144xf32, #tpu.memory_space<vmem_shared>> -> memref<64x144xf32, #tpu.memory_space<vmem_shared>>
      %dma_start3A_122 = arith.constant 0 : i32
      %dma_start3A_123 = tpu.memref_slice %arg10[%add3A_43, %dma_start3A_122] : memref<10240x144xf32, #tpu.memory_space<vmem_shared>> -> memref<64x144xf32, #tpu.memory_space<vmem_shared>>
      tpu.enqueue_dma source(%arg9 : memref<64x144xf32, #tpu.memory_space<vmem>>) target(%dma_start3A_123 : memref<64x144xf32, #tpu.memory_space<vmem_shared>>) target_semaphore(%run_scoped3A : memref<!tpu.dma_semaphore, #tpu.memory_space<semaphore_mem>>)
      %dma_wait3A = arith.constant 0 : i32
      %dma_wait3A_124 = tpu.memref_slice %arg10[%add3A_43, %dma_wait3A] : memref<10240x144xf32, #tpu.memory_space<vmem_shared>> -> memref<64x144xf32, #tpu.memory_space<vmem_shared>>
      %dma_wait3A_125 = arith.constant 0 : i32
      %dma_wait3A_126 = tpu.memref_slice %arg10[%add3A_43, %dma_wait3A_125] : memref<10240x144xf32, #tpu.memory_space<vmem_shared>> -> memref<64x144xf32, #tpu.memory_space<vmem_shared>>
      tpu.wait_dma2 semaphore(%run_scoped3A : memref<!tpu.dma_semaphore, #tpu.memory_space<semaphore_mem>>) src(%arg9 : memref<64x144xf32, #tpu.memory_space<vmem>>) dst(%dma_wait3A_126 : memref<64x144xf32, #tpu.memory_space<vmem_shared>>)
      tpu.yield
    }) : () -> ()
    %barrier3A = arith.constant 0 : index
    tpu.barrier barrier_id(%barrier3A)
    %mul3A_44 = arith.constant 10000 : i32
    %mul3A_45 = arith.muli %arg0, %mul3A_44 : i32
    "tpu.region"() ({
      %run_scoped3A = tpu.sem_alloc : memref<!tpu.dma_semaphore, #tpu.memory_space<semaphore_mem>>
      %dma_start3A = arith.constant 0 : i32
      %dma_start3A_121 = arith.constant 0 : i32
      %dma_start3A_122 = tpu.memref_slice %arg3[%arg1, %dma_start3A, %dma_start3A_121] : memref<16x125x80xi32, #tpu.memory_space<hbm>> -> memref<1x25x80xi32, #tpu.memory_space<hbm>>
      %dma_start3A_123 = tpu.memref_squeeze %dma_start3A_122 : memref<1x25x80xi32, #tpu.memory_space<hbm>> -> memref<25x80xi32, #tpu.memory_space<hbm>>
      %dma_start3A_124 = arith.constant 0 : i32
      %dma_start3A_125 = arith.constant 0 : i32
      %dma_start3A_126 = tpu.memref_slice %arg3[%arg1, %dma_start3A_124, %dma_start3A_125] : memref<16x125x80xi32, #tpu.memory_space<hbm>> -> memref<1x25x80xi32, #tpu.memory_space<hbm>>
      %dma_start3A_127 = tpu.memref_squeeze %dma_start3A_126 : memref<1x25x80xi32, #tpu.memory_space<hbm>> -> memref<25x80xi32, #tpu.memory_space<hbm>>
      tpu.enqueue_dma source(%dma_start3A_127 : memref<25x80xi32, #tpu.memory_space<hbm>>) target(%arg6 : memref<25x80xi32, #tpu.memory_space<vmem>>) target_semaphore(%run_scoped3A : memref<!tpu.dma_semaphore, #tpu.memory_space<semaphore_mem>>)
      %dma_wait3A = arith.constant 0 : i32
      %dma_wait3A_128 = arith.constant 0 : i32
      %dma_wait3A_129 = tpu.memref_slice %arg3[%arg1, %dma_wait3A, %dma_wait3A_128] : memref<16x125x80xi32, #tpu.memory_space<hbm>> -> memref<1x25x80xi32, #tpu.memory_space<hbm>>
      %dma_wait3A_130 = tpu.memref_squeeze %dma_wait3A_129 : memref<1x25x80xi32, #tpu.memory_space<hbm>> -> memref<25x80xi32, #tpu.memory_space<hbm>>
      %dma_wait3A_131 = arith.constant 0 : i32
      %dma_wait3A_132 = arith.constant 0 : i32
      %dma_wait3A_133 = tpu.memref_slice %arg3[%arg1, %dma_wait3A_131, %dma_wait3A_132] : memref<16x125x80xi32, #tpu.memory_space<hbm>> -> memref<1x25x80xi32, #tpu.memory_space<hbm>>
      %dma_wait3A_134 = tpu.memref_squeeze %dma_wait3A_133 : memref<1x25x80xi32, #tpu.memory_space<hbm>> -> memref<25x80xi32, #tpu.memory_space<hbm>>
      tpu.wait_dma2 semaphore(%run_scoped3A : memref<!tpu.dma_semaphore, #tpu.memory_space<semaphore_mem>>) src(%dma_wait3A_134 : memref<25x80xi32, #tpu.memory_space<hbm>>) dst(%arg6 : memref<25x80xi32, #tpu.memory_space<vmem>>)
      tpu.yield
    }) : () -> ()
    "tpu.region"() ({
      %run_scoped3A = tpu.sem_alloc : memref<!tpu.dma_semaphore, #tpu.memory_space<semaphore_mem>>
      %dma_start3A = arith.constant 0 : i32
      %dma_start3A_121 = arith.constant 0 : i32
      %dma_start3A_122 = tpu.memref_slice %arg4[%arg1, %dma_start3A, %dma_start3A_121] : memref<16x125x80xi32, #tpu.memory_space<hbm>> -> memref<1x25x80xi32, #tpu.memory_space<hbm>>
      %dma_start3A_123 = tpu.memref_squeeze %dma_start3A_122 : memref<1x25x80xi32, #tpu.memory_space<hbm>> -> memref<25x80xi32, #tpu.memory_space<hbm>>
      %dma_start3A_124 = arith.constant 0 : i32
      %dma_start3A_125 = arith.constant 0 : i32
      %dma_start3A_126 = tpu.memref_slice %arg4[%arg1, %dma_start3A_124, %dma_start3A_125] : memref<16x125x80xi32, #tpu.memory_space<hbm>> -> memref<1x25x80xi32, #tpu.memory_space<hbm>>
      %dma_start3A_127 = tpu.memref_squeeze %dma_start3A_126 : memref<1x25x80xi32, #tpu.memory_space<hbm>> -> memref<25x80xi32, #tpu.memory_space<hbm>>
      tpu.enqueue_dma source(%dma_start3A_127 : memref<25x80xi32, #tpu.memory_space<hbm>>) target(%arg7 : memref<25x80xi32, #tpu.memory_space<vmem>>) target_semaphore(%run_scoped3A : memref<!tpu.dma_semaphore, #tpu.memory_space<semaphore_mem>>)
      %dma_wait3A = arith.constant 0 : i32
      %dma_wait3A_128 = arith.constant 0 : i32
      %dma_wait3A_129 = tpu.memref_slice %arg4[%arg1, %dma_wait3A, %dma_wait3A_128] : memref<16x125x80xi32, #tpu.memory_space<hbm>> -> memref<1x25x80xi32, #tpu.memory_space<hbm>>
      %dma_wait3A_130 = tpu.memref_squeeze %dma_wait3A_129 : memref<1x25x80xi32, #tpu.memory_space<hbm>> -> memref<25x80xi32, #tpu.memory_space<hbm>>
      %dma_wait3A_131 = arith.constant 0 : i32
      %dma_wait3A_132 = arith.constant 0 : i32
      %dma_wait3A_133 = tpu.memref_slice %arg4[%arg1, %dma_wait3A_131, %dma_wait3A_132] : memref<16x125x80xi32, #tpu.memory_space<hbm>> -> memref<1x25x80xi32, #tpu.memory_space<hbm>>
      %dma_wait3A_134 = tpu.memref_squeeze %dma_wait3A_133 : memref<1x25x80xi32, #tpu.memory_space<hbm>> -> memref<25x80xi32, #tpu.memory_space<hbm>>
      tpu.wait_dma2 semaphore(%run_scoped3A : memref<!tpu.dma_semaphore, #tpu.memory_space<semaphore_mem>>) src(%dma_wait3A_134 : memref<25x80xi32, #tpu.memory_space<hbm>>) dst(%arg7 : memref<25x80xi32, #tpu.memory_space<vmem>>)
      tpu.yield
    }) : () -> ()
    %scan3A_46 = arith.constant 0 : i32
    %scan3A_47 = arith.constant 0 : i32
    %scan3A_48 = arith.constant 25 : i32
    %scan3A_49 = arith.addi %scan3A_47, %scan3A_48 : i32
    %scan3A_50 = arith.constant 1 : i32
    %scan3A_51 = scf.for %scan3A_121 = %scan3A_47 to %scan3A_49 step %scan3A_50 iter_args(%scan3A_122 = %scan3A_46) -> (i32)  : i32 {
      %get3A = arith.index_cast %scan3A_121 : i32 to index
      %get3A_123 = arith.constant 0 : index
      %get3A_124 = tpu.vector_load %arg6[%get3A, %get3A_123] {strides = array<i32>} : memref<25x80xi32, #tpu.memory_space<vmem>>, vector<1x16xi32>,
      %get3A_125 = vector.shape_cast %get3A_124 : vector<1x16xi32> to vector<16xi32>
      %add3A_126 = vector.broadcast %mul3A_45 : i32 to vector<16xi32>
      %add3A_127 = arith.addi %get3A_125, %add3A_126 : vector<16xi32>
      %swap3A = arith.index_cast %scan3A_121 : i32 to index
      %swap3A_128 = arith.constant 0 : index
      %swap3A_129 = tpu.vector_load %arg6[%swap3A, %swap3A_128] {strides = array<i32>} : memref<25x80xi32, #tpu.memory_space<vmem>>, vector<1x16xi32>,
      %swap3A_130 = vector.shape_cast %swap3A_129 : vector<1x16xi32> to vector<16xi32>
      %swap3A_131 = vector.shape_cast %add3A_127 : vector<16xi32> to vector<1x16xi32>
      tpu.vector_store %arg6[%swap3A, %swap3A_128], %swap3A_131 {strides = array<i32>} : memref<25x80xi32, #tpu.memory_space<vmem>>, vector<1x16xi32>,
      %get3A_132 = arith.index_cast %scan3A_121 : i32 to index
      %get3A_133 = arith.constant 16 : index
      %get3A_134 = tpu.vector_load %arg6[%get3A_132, %get3A_133] {strides = array<i32>} : memref<25x80xi32, #tpu.memory_space<vmem>>, vector<1x16xi32>,
      %get3A_135 = vector.shape_cast %get3A_134 : vector<1x16xi32> to vector<16xi32>
      %add3A_136 = vector.broadcast %mul3A_45 : i32 to vector<16xi32>
      %add3A_137 = arith.addi %get3A_135, %add3A_136 : vector<16xi32>
      %swap3A_138 = arith.index_cast %scan3A_121 : i32 to index
      %swap3A_139 = arith.constant 16 : index
      %swap3A_140 = tpu.vector_load %arg6[%swap3A_138, %swap3A_139] {strides = array<i32>} : memref<25x80xi32, #tpu.memory_space<vmem>>, vector<1x16xi32>,
      %swap3A_141 = vector.shape_cast %swap3A_140 : vector<1x16xi32> to vector<16xi32>
      %swap3A_142 = vector.shape_cast %add3A_137 : vector<16xi32> to vector<1x16xi32>
      tpu.vector_store %arg6[%swap3A_138, %swap3A_139], %swap3A_142 {strides = array<i32>} : memref<25x80xi32, #tpu.memory_space<vmem>>, vector<1x16xi32>,
      %get3A_143 = arith.index_cast %scan3A_121 : i32 to index
      %get3A_144 = arith.constant 32 : index
      %get3A_145 = tpu.vector_load %arg6[%get3A_143, %get3A_144] {strides = array<i32>} : memref<25x80xi32, #tpu.memory_space<vmem>>, vector<1x16xi32>,
      %get3A_146 = vector.shape_cast %get3A_145 : vector<1x16xi32> to vector<16xi32>
      %add3A_147 = vector.broadcast %mul3A_45 : i32 to vector<16xi32>
      %add3A_148 = arith.addi %get3A_146, %add3A_147 : vector<16xi32>
      %swap3A_149 = arith.index_cast %scan3A_121 : i32 to index
      %swap3A_150 = arith.constant 32 : index
      %swap3A_151 = tpu.vector_load %arg6[%swap3A_149, %swap3A_150] {strides = array<i32>} : memref<25x80xi32, #tpu.memory_space<vmem>>, vector<1x16xi32>,
      %swap3A_152 = vector.shape_cast %swap3A_151 : vector<1x16xi32> to vector<16xi32>
      %swap3A_153 = vector.shape_cast %add3A_148 : vector<16xi32> to vector<1x16xi32>
      tpu.vector_store %arg6[%swap3A_149, %swap3A_150], %swap3A_153 {strides = array<i32>} : memref<25x80xi32, #tpu.memory_space<vmem>>, vector<1x16xi32>,
      %get3A_154 = arith.index_cast %scan3A_121 : i32 to index
      %get3A_155 = arith.constant 48 : index
      %get3A_156 = tpu.vector_load %arg6[%get3A_154, %get3A_155] {strides = array<i32>} : memref<25x80xi32, #tpu.memory_space<vmem>>, vector<1x16xi32>,
      %get3A_157 = vector.shape_cast %get3A_156 : vector<1x16xi32> to vector<16xi32>
      %add3A_158 = vector.broadcast %mul3A_45 : i32 to vector<16xi32>
      %add3A_159 = arith.addi %get3A_157, %add3A_158 : vector<16xi32>
      %swap3A_160 = arith.index_cast %scan3A_121 : i32 to index
      %swap3A_161 = arith.constant 48 : index
      %swap3A_162 = tpu.vector_load %arg6[%swap3A_160, %swap3A_161] {strides = array<i32>} : memref<25x80xi32, #tpu.memory_space<vmem>>, vector<1x16xi32>,
      %swap3A_163 = vector.shape_cast %swap3A_162 : vector<1x16xi32> to vector<16xi32>
      %swap3A_164 = vector.shape_cast %add3A_159 : vector<16xi32> to vector<1x16xi32>
      tpu.vector_store %arg6[%swap3A_160, %swap3A_161], %swap3A_164 {strides = array<i32>} : memref<25x80xi32, #tpu.memory_space<vmem>>, vector<1x16xi32>,
      %get3A_165 = arith.index_cast %scan3A_121 : i32 to index
      %get3A_166 = arith.constant 64 : index
      %get3A_167 = tpu.vector_load %arg6[%get3A_165, %get3A_166] {strides = array<i32>} : memref<25x80xi32, #tpu.memory_space<vmem>>, vector<1x16xi32>,
      %get3A_168 = vector.shape_cast %get3A_167 : vector<1x16xi32> to vector<16xi32>
      %add3A_169 = vector.broadcast %mul3A_45 : i32 to vector<16xi32>
      %add3A_170 = arith.addi %get3A_168, %add3A_169 : vector<16xi32>
      %swap3A_171 = arith.index_cast %scan3A_121 : i32 to index
      %swap3A_172 = arith.constant 64 : index
      %swap3A_173 = tpu.vector_load %arg6[%swap3A_171, %swap3A_172] {strides = array<i32>} : memref<25x80xi32, #tpu.memory_space<vmem>>, vector<1x16xi32>,
      %swap3A_174 = vector.shape_cast %swap3A_173 : vector<1x16xi32> to vector<16xi32>
      %swap3A_175 = vector.shape_cast %add3A_170 : vector<16xi32> to vector<1x16xi32>
      tpu.vector_store %arg6[%swap3A_171, %swap3A_172], %swap3A_175 {strides = array<i32>} : memref<25x80xi32, #tpu.memory_space<vmem>>, vector<1x16xi32>,
      %scan3A_176 = arith.constant 0 : i32
      scf.yield %scan3A_176 : i32
    }
    %scan3A_52 = arith.constant 25 : i32
    %scan3A_53 = arith.constant 0 : i32
    %scan3A_54 = arith.constant 0 : i32
    %scan3A_55 = arith.constant 25 : i32
    %scan3A_56 = arith.addi %scan3A_54, %scan3A_55 : i32
    %scan3A_57 = arith.constant 1 : i32
    %scan3A_58 = scf.for %scan3A_121 = %scan3A_54 to %scan3A_56 step %scan3A_57 iter_args(%scan3A_122 = %scan3A_53) -> (i32)  : i32 {
      %dma_start3A = arith.constant 0 : i32
      %dma_start3A_123 = tpu.memref_slice %arg6[%scan3A_121, %dma_start3A] : memref<25x80xi32, #tpu.memory_space<vmem>> -> memref<1x80xi32, #tpu.memory_space<vmem>>
      %dma_start3A_124 = tpu.memref_squeeze %dma_start3A_123 : memref<1x80xi32, #tpu.memory_space<vmem>> -> memref<80xi32, #tpu.memory_space<vmem>>
      %dma_start3A_125 = arith.constant 0 : i32
      %dma_start3A_126 = arith.constant 0 : i32
      %dma_start3A_127 = tpu.memref_slice %arg2[%dma_start3A_125, %dma_start3A_126] : memref<20000x144xf32, #tpu.memory_space<hbm>> -> memref<20000x144xf32, #tpu.memory_space<hbm>>
      tpu.enqueue_indirect_dma source(%dma_start3A_127 : memref<20000x144xf32, #tpu.memory_space<hbm>>) target(%arg8 : memref<80x144xf32, #tpu.memory_space<vmem>>) offsets(%dma_start3A_124 : memref<80xi32, #tpu.memory_space<vmem>>) semaphore(%arg11 : memref<!tpu.dma_semaphore, #tpu.memory_space<semaphore_mem>>)
      %dma_wait3A = arith.constant 0 : i32
      %dma_wait3A_128 = tpu.memref_slice %arg6[%scan3A_121, %dma_wait3A] : memref<25x80xi32, #tpu.memory_space<vmem>> -> memref<1x80xi32, #tpu.memory_space<vmem>>
      %dma_wait3A_129 = tpu.memref_squeeze %dma_wait3A_128 : memref<1x80xi32, #tpu.memory_space<vmem>> -> memref<80xi32, #tpu.memory_space<vmem>>
      %dma_wait3A_130 = arith.constant 0 : i32
      %dma_wait3A_131 = arith.constant 0 : i32
      %dma_wait3A_132 = tpu.memref_slice %arg2[%dma_wait3A_130, %dma_wait3A_131] : memref<20000x144xf32, #tpu.memory_space<hbm>> -> memref<20000x144xf32, #tpu.memory_space<hbm>>
      tpu.wait_indirect_dma semaphore(%arg11 : memref<!tpu.dma_semaphore, #tpu.memory_space<semaphore_mem>>) src(%dma_wait3A_132 : memref<20000x144xf32, #tpu.memory_space<hbm>>) dst(%arg8 : memref<80x144xf32, #tpu.memory_space<vmem>>)
      "tpu.region"() ({
        %run_scoped3A = tpu.sem_alloc : memref<!tpu.dma_semaphore, #tpu.memory_space<semaphore_mem>>
        %dma_start3A_134 = arith.constant 0 : i32
        %dma_start3A_135 = tpu.memref_slice %arg7[%scan3A_121, %dma_start3A_134] : memref<25x80xi32, #tpu.memory_space<vmem>> -> memref<1x80xi32, #tpu.memory_space<vmem>>
        %dma_start3A_136 = tpu.memref_squeeze %dma_start3A_135 : memref<1x80xi32, #tpu.memory_space<vmem>> -> memref<80xi32, #tpu.memory_space<vmem>>
        %dma_start3A_137 = arith.constant 0 : i32
        %dma_start3A_138 = arith.constant 0 : i32
        %dma_start3A_139 = tpu.memref_slice %arg10[%dma_start3A_137, %dma_start3A_138] : memref<10240x144xf32, #tpu.memory_space<vmem_shared>> -> memref<10240x144xf32, #tpu.memory_space<vmem_shared>>
        tpu.enqueue_indirect_dma source(%arg8 : memref<80x144xf32, #tpu.memory_space<vmem>>) target(%dma_start3A_139 : memref<10240x144xf32, #tpu.memory_space<vmem_shared>>) offsets(%dma_start3A_136 : memref<80xi32, #tpu.memory_space<vmem>>) semaphore(%run_scoped3A : memref<!tpu.dma_semaphore, #tpu.memory_space<semaphore_mem>>) {add = true}
        %dma_wait3A_140 = arith.constant 0 : i32
        %dma_wait3A_141 = tpu.memref_slice %arg7[%scan3A_121, %dma_wait3A_140] : memref<25x80xi32, #tpu.memory_space<vmem>> -> memref<1x80xi32, #tpu.memory_space<vmem>>
        %dma_wait3A_142 = tpu.memref_squeeze %dma_wait3A_141 : memref<1x80xi32, #tpu.memory_space<vmem>> -> memref<80xi32, #tpu.memory_space<vmem>>
        %dma_wait3A_143 = arith.constant 0 : i32
        %dma_wait3A_144 = arith.constant 0 : i32
        %dma_wait3A_145 = tpu.memref_slice %arg10[%dma_wait3A_143, %dma_wait3A_144] : memref<10240x144xf32, #tpu.memory_space<vmem_shared>> -> memref<10240x144xf32, #tpu.memory_space<vmem_shared>>
        tpu.wait_indirect_dma semaphore(%run_scoped3A : memref<!tpu.dma_semaphore, #tpu.memory_space<semaphore_mem>>) src(%arg8 : memref<80x144xf32, #tpu.memory_space<vmem>>) dst(%dma_wait3A_145 : memref<10240x144xf32, #tpu.memory_space<vmem_shared>>)
        tpu.yield
      }) : () -> ()
      %scan3A_133 = arith.constant 0 : i32
      scf.yield %scan3A_133 : i32
    }
    %scan3A_59 = arith.constant 25 : i32
    "tpu.region"() ({
      %run_scoped3A = tpu.sem_alloc : memref<!tpu.dma_semaphore, #tpu.memory_space<semaphore_mem>>
      %dma_start3A = arith.constant 25 : i32
      %dma_start3A_121 = arith.constant 0 : i32
      %dma_start3A_122 = tpu.memref_slice %arg3[%arg1, %dma_start3A, %dma_start3A_121] : memref<16x125x80xi32, #tpu.memory_space<hbm>> -> memref<1x25x80xi32, #tpu.memory_space<hbm>>
      %dma_start3A_123 = tpu.memref_squeeze %dma_start3A_122 : memref<1x25x80xi32, #tpu.memory_space<hbm>> -> memref<25x80xi32, #tpu.memory_space<hbm>>
      %dma_start3A_124 = arith.constant 25 : i32
      %dma_start3A_125 = arith.constant 0 : i32
      %dma_start3A_126 = tpu.memref_slice %arg3[%arg1, %dma_start3A_124, %dma_start3A_125] : memref<16x125x80xi32, #tpu.memory_space<hbm>> -> memref<1x25x80xi32, #tpu.memory_space<hbm>>
      %dma_start3A_127 = tpu.memref_squeeze %dma_start3A_126 : memref<1x25x80xi32, #tpu.memory_space<hbm>> -> memref<25x80xi32, #tpu.memory_space<hbm>>
      tpu.enqueue_dma source(%dma_start3A_127 : memref<25x80xi32, #tpu.memory_space<hbm>>) target(%arg6 : memref<25x80xi32, #tpu.memory_space<vmem>>) target_semaphore(%run_scoped3A : memref<!tpu.dma_semaphore, #tpu.memory_space<semaphore_mem>>)
      %dma_wait3A = arith.constant 25 : i32
      %dma_wait3A_128 = arith.constant 0 : i32
      %dma_wait3A_129 = tpu.memref_slice %arg3[%arg1, %dma_wait3A, %dma_wait3A_128] : memref<16x125x80xi32, #tpu.memory_space<hbm>> -> memref<1x25x80xi32, #tpu.memory_space<hbm>>
      %dma_wait3A_130 = tpu.memref_squeeze %dma_wait3A_129 : memref<1x25x80xi32, #tpu.memory_space<hbm>> -> memref<25x80xi32, #tpu.memory_space<hbm>>
      %dma_wait3A_131 = arith.constant 25 : i32
      %dma_wait3A_132 = arith.constant 0 : i32
      %dma_wait3A_133 = tpu.memref_slice %arg3[%arg1, %dma_wait3A_131, %dma_wait3A_132] : memref<16x125x80xi32, #tpu.memory_space<hbm>> -> memref<1x25x80xi32, #tpu.memory_space<hbm>>
      %dma_wait3A_134 = tpu.memref_squeeze %dma_wait3A_133 : memref<1x25x80xi32, #tpu.memory_space<hbm>> -> memref<25x80xi32, #tpu.memory_space<hbm>>
      tpu.wait_dma2 semaphore(%run_scoped3A : memref<!tpu.dma_semaphore, #tpu.memory_space<semaphore_mem>>) src(%dma_wait3A_134 : memref<25x80xi32, #tpu.memory_space<hbm>>) dst(%arg6 : memref<25x80xi32, #tpu.memory_space<vmem>>)
      tpu.yield
    }) : () -> ()
    "tpu.region"() ({
      %run_scoped3A = tpu.sem_alloc : memref<!tpu.dma_semaphore, #tpu.memory_space<semaphore_mem>>
      %dma_start3A = arith.constant 25 : i32
      %dma_start3A_121 = arith.constant 0 : i32
      %dma_start3A_122 = tpu.memref_slice %arg4[%arg1, %dma_start3A, %dma_start3A_121] : memref<16x125x80xi32, #tpu.memory_space<hbm>> -> memref<1x25x80xi32, #tpu.memory_space<hbm>>
      %dma_start3A_123 = tpu.memref_squeeze %dma_start3A_122 : memref<1x25x80xi32, #tpu.memory_space<hbm>> -> memref<25x80xi32, #tpu.memory_space<hbm>>
      %dma_start3A_124 = arith.constant 25 : i32
      %dma_start3A_125 = arith.constant 0 : i32
      %dma_start3A_126 = tpu.memref_slice %arg4[%arg1, %dma_start3A_124, %dma_start3A_125] : memref<16x125x80xi32, #tpu.memory_space<hbm>> -> memref<1x25x80xi32, #tpu.memory_space<hbm>>
      %dma_start3A_127 = tpu.memref_squeeze %dma_start3A_126 : memref<1x25x80xi32, #tpu.memory_space<hbm>> -> memref<25x80xi32, #tpu.memory_space<hbm>>
      tpu.enqueue_dma source(%dma_start3A_127 : memref<25x80xi32, #tpu.memory_space<hbm>>) target(%arg7 : memref<25x80xi32, #tpu.memory_space<vmem>>) target_semaphore(%run_scoped3A : memref<!tpu.dma_semaphore, #tpu.memory_space<semaphore_mem>>)
      %dma_wait3A = arith.constant 25 : i32
      %dma_wait3A_128 = arith.constant 0 : i32
      %dma_wait3A_129 = tpu.memref_slice %arg4[%arg1, %dma_wait3A, %dma_wait3A_128] : memref<16x125x80xi32, #tpu.memory_space<hbm>> -> memref<1x25x80xi32, #tpu.memory_space<hbm>>
      %dma_wait3A_130 = tpu.memref_squeeze %dma_wait3A_129 : memref<1x25x80xi32, #tpu.memory_space<hbm>> -> memref<25x80xi32, #tpu.memory_space<hbm>>
      %dma_wait3A_131 = arith.constant 25 : i32
      %dma_wait3A_132 = arith.constant 0 : i32
      %dma_wait3A_133 = tpu.memref_slice %arg4[%arg1, %dma_wait3A_131, %dma_wait3A_132] : memref<16x125x80xi32, #tpu.memory_space<hbm>> -> memref<1x25x80xi32, #tpu.memory_space<hbm>>
      %dma_wait3A_134 = tpu.memref_squeeze %dma_wait3A_133 : memref<1x25x80xi32, #tpu.memory_space<hbm>> -> memref<25x80xi32, #tpu.memory_space<hbm>>
      tpu.wait_dma2 semaphore(%run_scoped3A : memref<!tpu.dma_semaphore, #tpu.memory_space<semaphore_mem>>) src(%dma_wait3A_134 : memref<25x80xi32, #tpu.memory_space<hbm>>) dst(%arg7 : memref<25x80xi32, #tpu.memory_space<vmem>>)
      tpu.yield
    }) : () -> ()
    %scan3A_60 = arith.constant 0 : i32
    %scan3A_61 = arith.constant 0 : i32
    %scan3A_62 = arith.constant 25 : i32
    %scan3A_63 = arith.addi %scan3A_61, %scan3A_62 : i32
    %scan3A_64 = arith.constant 1 : i32
    %scan3A_65 = scf.for %scan3A_121 = %scan3A_61 to %scan3A_63 step %scan3A_64 iter_args(%scan3A_122 = %scan3A_60) -> (i32)  : i32 {
      %get3A = arith.index_cast %scan3A_121 : i32 to index
      %get3A_123 = arith.constant 0 : index
      %get3A_124 = tpu.vector_load %arg6[%get3A, %get3A_123] {strides = array<i32>} : memref<25x80xi32, #tpu.memory_space<vmem>>, vector<1x16xi32>,
      %get3A_125 = vector.shape_cast %get3A_124 : vector<1x16xi32> to vector<16xi32>
      %add3A_126 = vector.broadcast %mul3A_45 : i32 to vector<16xi32>
      %add3A_127 = arith.addi %get3A_125, %add3A_126 : vector<16xi32>
      %swap3A = arith.index_cast %scan3A_121 : i32 to index
      %swap3A_128 = arith.constant 0 : index
      %swap3A_129 = tpu.vector_load %arg6[%swap3A, %swap3A_128] {strides = array<i32>} : memref<25x80xi32, #tpu.memory_space<vmem>>, vector<1x16xi32>,
      %swap3A_130 = vector.shape_cast %swap3A_129 : vector<1x16xi32> to vector<16xi32>
      %swap3A_131 = vector.shape_cast %add3A_127 : vector<16xi32> to vector<1x16xi32>
      tpu.vector_store %arg6[%swap3A, %swap3A_128], %swap3A_131 {strides = array<i32>} : memref<25x80xi32, #tpu.memory_space<vmem>>, vector<1x16xi32>,
      %get3A_132 = arith.index_cast %scan3A_121 : i32 to index
      %get3A_133 = arith.constant 16 : index
      %get3A_134 = tpu.vector_load %arg6[%get3A_132, %get3A_133] {strides = array<i32>} : memref<25x80xi32, #tpu.memory_space<vmem>>, vector<1x16xi32>,
      %get3A_135 = vector.shape_cast %get3A_134 : vector<1x16xi32> to vector<16xi32>
      %add3A_136 = vector.broadcast %mul3A_45 : i32 to vector<16xi32>
      %add3A_137 = arith.addi %get3A_135, %add3A_136 : vector<16xi32>
      %swap3A_138 = arith.index_cast %scan3A_121 : i32 to index
      %swap3A_139 = arith.constant 16 : index
      %swap3A_140 = tpu.vector_load %arg6[%swap3A_138, %swap3A_139] {strides = array<i32>} : memref<25x80xi32, #tpu.memory_space<vmem>>, vector<1x16xi32>,
      %swap3A_141 = vector.shape_cast %swap3A_140 : vector<1x16xi32> to vector<16xi32>
      %swap3A_142 = vector.shape_cast %add3A_137 : vector<16xi32> to vector<1x16xi32>
      tpu.vector_store %arg6[%swap3A_138, %swap3A_139], %swap3A_142 {strides = array<i32>} : memref<25x80xi32, #tpu.memory_space<vmem>>, vector<1x16xi32>,
      %get3A_143 = arith.index_cast %scan3A_121 : i32 to index
      %get3A_144 = arith.constant 32 : index
      %get3A_145 = tpu.vector_load %arg6[%get3A_143, %get3A_144] {strides = array<i32>} : memref<25x80xi32, #tpu.memory_space<vmem>>, vector<1x16xi32>,
      %get3A_146 = vector.shape_cast %get3A_145 : vector<1x16xi32> to vector<16xi32>
      %add3A_147 = vector.broadcast %mul3A_45 : i32 to vector<16xi32>
      %add3A_148 = arith.addi %get3A_146, %add3A_147 : vector<16xi32>
      %swap3A_149 = arith.index_cast %scan3A_121 : i32 to index
      %swap3A_150 = arith.constant 32 : index
      %swap3A_151 = tpu.vector_load %arg6[%swap3A_149, %swap3A_150] {strides = array<i32>} : memref<25x80xi32, #tpu.memory_space<vmem>>, vector<1x16xi32>,
      %swap3A_152 = vector.shape_cast %swap3A_151 : vector<1x16xi32> to vector<16xi32>
      %swap3A_153 = vector.shape_cast %add3A_148 : vector<16xi32> to vector<1x16xi32>
      tpu.vector_store %arg6[%swap3A_149, %swap3A_150], %swap3A_153 {strides = array<i32>} : memref<25x80xi32, #tpu.memory_space<vmem>>, vector<1x16xi32>,
      %get3A_154 = arith.index_cast %scan3A_121 : i32 to index
      %get3A_155 = arith.constant 48 : index
      %get3A_156 = tpu.vector_load %arg6[%get3A_154, %get3A_155] {strides = array<i32>} : memref<25x80xi32, #tpu.memory_space<vmem>>, vector<1x16xi32>,
      %get3A_157 = vector.shape_cast %get3A_156 : vector<1x16xi32> to vector<16xi32>
      %add3A_158 = vector.broadcast %mul3A_45 : i32 to vector<16xi32>
      %add3A_159 = arith.addi %get3A_157, %add3A_158 : vector<16xi32>
      %swap3A_160 = arith.index_cast %scan3A_121 : i32 to index
      %swap3A_161 = arith.constant 48 : index
      %swap3A_162 = tpu.vector_load %arg6[%swap3A_160, %swap3A_161] {strides = array<i32>} : memref<25x80xi32, #tpu.memory_space<vmem>>, vector<1x16xi32>,
      %swap3A_163 = vector.shape_cast %swap3A_162 : vector<1x16xi32> to vector<16xi32>
      %swap3A_164 = vector.shape_cast %add3A_159 : vector<16xi32> to vector<1x16xi32>
      tpu.vector_store %arg6[%swap3A_160, %swap3A_161], %swap3A_164 {strides = array<i32>} : memref<25x80xi32, #tpu.memory_space<vmem>>, vector<1x16xi32>,
      %get3A_165 = arith.index_cast %scan3A_121 : i32 to index
      %get3A_166 = arith.constant 64 : index
      %get3A_167 = tpu.vector_load %arg6[%get3A_165, %get3A_166] {strides = array<i32>} : memref<25x80xi32, #tpu.memory_space<vmem>>, vector<1x16xi32>,
      %get3A_168 = vector.shape_cast %get3A_167 : vector<1x16xi32> to vector<16xi32>
      %add3A_169 = vector.broadcast %mul3A_45 : i32 to vector<16xi32>
      %add3A_170 = arith.addi %get3A_168, %add3A_169 : vector<16xi32>
      %swap3A_171 = arith.index_cast %scan3A_121 : i32 to index
      %swap3A_172 = arith.constant 64 : index
      %swap3A_173 = tpu.vector_load %arg6[%swap3A_171, %swap3A_172] {strides = array<i32>} : memref<25x80xi32, #tpu.memory_space<vmem>>, vector<1x16xi32>,
      %swap3A_174 = vector.shape_cast %swap3A_173 : vector<1x16xi32> to vector<16xi32>
      %swap3A_175 = vector.shape_cast %add3A_170 : vector<16xi32> to vector<1x16xi32>
      tpu.vector_store %arg6[%swap3A_171, %swap3A_172], %swap3A_175 {strides = array<i32>} : memref<25x80xi32, #tpu.memory_space<vmem>>, vector<1x16xi32>,
      %scan3A_176 = arith.constant 0 : i32
      scf.yield %scan3A_176 : i32
    }
    %scan3A_66 = arith.constant 25 : i32
    %scan3A_67 = arith.constant 0 : i32
    %scan3A_68 = arith.constant 0 : i32
    %scan3A_69 = arith.constant 25 : i32
    %scan3A_70 = arith.addi %scan3A_68, %scan3A_69 : i32
    %scan3A_71 = arith.constant 1 : i32
    %scan3A_72 = scf.for %scan3A_121 = %scan3A_68 to %scan3A_70 step %scan3A_71 iter_args(%scan3A_122 = %scan3A_67) -> (i32)  : i32 {
      %dma_start3A = arith.constant 0 : i32
      %dma_start3A_123 = tpu.memref_slice %arg6[%scan3A_121, %dma_start3A] : memref<25x80xi32, #tpu.memory_space<vmem>> -> memref<1x80xi32, #tpu.memory_space<vmem>>
      %dma_start3A_124 = tpu.memref_squeeze %dma_start3A_123 : memref<1x80xi32, #tpu.memory_space<vmem>> -> memref<80xi32, #tpu.memory_space<vmem>>
      %dma_start3A_125 = arith.constant 0 : i32
      %dma_start3A_126 = arith.constant 0 : i32
      %dma_start3A_127 = tpu.memref_slice %arg2[%dma_start3A_125, %dma_start3A_126] : memref<20000x144xf32, #tpu.memory_space<hbm>> -> memref<20000x144xf32, #tpu.memory_space<hbm>>
      tpu.enqueue_indirect_dma source(%dma_start3A_127 : memref<20000x144xf32, #tpu.memory_space<hbm>>) target(%arg8 : memref<80x144xf32, #tpu.memory_space<vmem>>) offsets(%dma_start3A_124 : memref<80xi32, #tpu.memory_space<vmem>>) semaphore(%arg11 : memref<!tpu.dma_semaphore, #tpu.memory_space<semaphore_mem>>)
      %dma_wait3A = arith.constant 0 : i32
      %dma_wait3A_128 = tpu.memref_slice %arg6[%scan3A_121, %dma_wait3A] : memref<25x80xi32, #tpu.memory_space<vmem>> -> memref<1x80xi32, #tpu.memory_space<vmem>>
      %dma_wait3A_129 = tpu.memref_squeeze %dma_wait3A_128 : memref<1x80xi32, #tpu.memory_space<vmem>> -> memref<80xi32, #tpu.memory_space<vmem>>
      %dma_wait3A_130 = arith.constant 0 : i32
      %dma_wait3A_131 = arith.constant 0 : i32
      %dma_wait3A_132 = tpu.memref_slice %arg2[%dma_wait3A_130, %dma_wait3A_131] : memref<20000x144xf32, #tpu.memory_space<hbm>> -> memref<20000x144xf32, #tpu.memory_space<hbm>>
      tpu.wait_indirect_dma semaphore(%arg11 : memref<!tpu.dma_semaphore, #tpu.memory_space<semaphore_mem>>) src(%dma_wait3A_132 : memref<20000x144xf32, #tpu.memory_space<hbm>>) dst(%arg8 : memref<80x144xf32, #tpu.memory_space<vmem>>)
      "tpu.region"() ({
        %run_scoped3A = tpu.sem_alloc : memref<!tpu.dma_semaphore, #tpu.memory_space<semaphore_mem>>
        %dma_start3A_134 = arith.constant 0 : i32
        %dma_start3A_135 = tpu.memref_slice %arg7[%scan3A_121, %dma_start3A_134] : memref<25x80xi32, #tpu.memory_space<vmem>> -> memref<1x80xi32, #tpu.memory_space<vmem>>
        %dma_start3A_136 = tpu.memref_squeeze %dma_start3A_135 : memref<1x80xi32, #tpu.memory_space<vmem>> -> memref<80xi32, #tpu.memory_space<vmem>>
        %dma_start3A_137 = arith.constant 0 : i32
        %dma_start3A_138 = arith.constant 0 : i32
        %dma_start3A_139 = tpu.memref_slice %arg10[%dma_start3A_137, %dma_start3A_138] : memref<10240x144xf32, #tpu.memory_space<vmem_shared>> -> memref<10240x144xf32, #tpu.memory_space<vmem_shared>>
        tpu.enqueue_indirect_dma source(%arg8 : memref<80x144xf32, #tpu.memory_space<vmem>>) target(%dma_start3A_139 : memref<10240x144xf32, #tpu.memory_space<vmem_shared>>) offsets(%dma_start3A_136 : memref<80xi32, #tpu.memory_space<vmem>>) semaphore(%run_scoped3A : memref<!tpu.dma_semaphore, #tpu.memory_space<semaphore_mem>>) {add = true}
        %dma_wait3A_140 = arith.constant 0 : i32
        %dma_wait3A_141 = tpu.memref_slice %arg7[%scan3A_121, %dma_wait3A_140] : memref<25x80xi32, #tpu.memory_space<vmem>> -> memref<1x80xi32, #tpu.memory_space<vmem>>
        %dma_wait3A_142 = tpu.memref_squeeze %dma_wait3A_141 : memref<1x80xi32, #tpu.memory_space<vmem>> -> memref<80xi32, #tpu.memory_space<vmem>>
        %dma_wait3A_143 = arith.constant 0 : i32
        %dma_wait3A_144 = arith.constant 0 : i32
        %dma_wait3A_145 = tpu.memref_slice %arg10[%dma_wait3A_143, %dma_wait3A_144] : memref<10240x144xf32, #tpu.memory_space<vmem_shared>> -> memref<10240x144xf32, #tpu.memory_space<vmem_shared>>
        tpu.wait_indirect_dma semaphore(%run_scoped3A : memref<!tpu.dma_semaphore, #tpu.memory_space<semaphore_mem>>) src(%arg8 : memref<80x144xf32, #tpu.memory_space<vmem>>) dst(%dma_wait3A_145 : memref<10240x144xf32, #tpu.memory_space<vmem_shared>>)
        tpu.yield
      }) : () -> ()
      %scan3A_133 = arith.constant 0 : i32
      scf.yield %scan3A_133 : i32
    }
    %scan3A_73 = arith.constant 25 : i32
    "tpu.region"() ({
      %run_scoped3A = tpu.sem_alloc : memref<!tpu.dma_semaphore, #tpu.memory_space<semaphore_mem>>
      %dma_start3A = arith.constant 50 : i32
      %dma_start3A_121 = arith.constant 0 : i32
      %dma_start3A_122 = tpu.memref_slice %arg3[%arg1, %dma_start3A, %dma_start3A_121] : memref<16x125x80xi32, #tpu.memory_space<hbm>> -> memref<1x25x80xi32, #tpu.memory_space<hbm>>
      %dma_start3A_123 = tpu.memref_squeeze %dma_start3A_122 : memref<1x25x80xi32, #tpu.memory_space<hbm>> -> memref<25x80xi32, #tpu.memory_space<hbm>>
      %dma_start3A_124 = arith.constant 50 : i32
      %dma_start3A_125 = arith.constant 0 : i32
      %dma_start3A_126 = tpu.memref_slice %arg3[%arg1, %dma_start3A_124, %dma_start3A_125] : memref<16x125x80xi32, #tpu.memory_space<hbm>> -> memref<1x25x80xi32, #tpu.memory_space<hbm>>
      %dma_start3A_127 = tpu.memref_squeeze %dma_start3A_126 : memref<1x25x80xi32, #tpu.memory_space<hbm>> -> memref<25x80xi32, #tpu.memory_space<hbm>>
      tpu.enqueue_dma source(%dma_start3A_127 : memref<25x80xi32, #tpu.memory_space<hbm>>) target(%arg6 : memref<25x80xi32, #tpu.memory_space<vmem>>) target_semaphore(%run_scoped3A : memref<!tpu.dma_semaphore, #tpu.memory_space<semaphore_mem>>)
      %dma_wait3A = arith.constant 50 : i32
      %dma_wait3A_128 = arith.constant 0 : i32
      %dma_wait3A_129 = tpu.memref_slice %arg3[%arg1, %dma_wait3A, %dma_wait3A_128] : memref<16x125x80xi32, #tpu.memory_space<hbm>> -> memref<1x25x80xi32, #tpu.memory_space<hbm>>
      %dma_wait3A_130 = tpu.memref_squeeze %dma_wait3A_129 : memref<1x25x80xi32, #tpu.memory_space<hbm>> -> memref<25x80xi32, #tpu.memory_space<hbm>>
      %dma_wait3A_131 = arith.constant 50 : i32
      %dma_wait3A_132 = arith.constant 0 : i32
      %dma_wait3A_133 = tpu.memref_slice %arg3[%arg1, %dma_wait3A_131, %dma_wait3A_132] : memref<16x125x80xi32, #tpu.memory_space<hbm>> -> memref<1x25x80xi32, #tpu.memory_space<hbm>>
      %dma_wait3A_134 = tpu.memref_squeeze %dma_wait3A_133 : memref<1x25x80xi32, #tpu.memory_space<hbm>> -> memref<25x80xi32, #tpu.memory_space<hbm>>
      tpu.wait_dma2 semaphore(%run_scoped3A : memref<!tpu.dma_semaphore, #tpu.memory_space<semaphore_mem>>) src(%dma_wait3A_134 : memref<25x80xi32, #tpu.memory_space<hbm>>) dst(%arg6 : memref<25x80xi32, #tpu.memory_space<vmem>>)
      tpu.yield
    }) : () -> ()
    "tpu.region"() ({
      %run_scoped3A = tpu.sem_alloc : memref<!tpu.dma_semaphore, #tpu.memory_space<semaphore_mem>>
      %dma_start3A = arith.constant 50 : i32
      %dma_start3A_121 = arith.constant 0 : i32
      %dma_start3A_122 = tpu.memref_slice %arg4[%arg1, %dma_start3A, %dma_start3A_121] : memref<16x125x80xi32, #tpu.memory_space<hbm>> -> memref<1x25x80xi32, #tpu.memory_space<hbm>>
      %dma_start3A_123 = tpu.memref_squeeze %dma_start3A_122 : memref<1x25x80xi32, #tpu.memory_space<hbm>> -> memref<25x80xi32, #tpu.memory_space<hbm>>
      %dma_start3A_124 = arith.constant 50 : i32
      %dma_start3A_125 = arith.constant 0 : i32
      %dma_start3A_126 = tpu.memref_slice %arg4[%arg1, %dma_start3A_124, %dma_start3A_125] : memref<16x125x80xi32, #tpu.memory_space<hbm>> -> memref<1x25x80xi32, #tpu.memory_space<hbm>>
      %dma_start3A_127 = tpu.memref_squeeze %dma_start3A_126 : memref<1x25x80xi32, #tpu.memory_space<hbm>> -> memref<25x80xi32, #tpu.memory_space<hbm>>
      tpu.enqueue_dma source(%dma_start3A_127 : memref<25x80xi32, #tpu.memory_space<hbm>>) target(%arg7 : memref<25x80xi32, #tpu.memory_space<vmem>>) target_semaphore(%run_scoped3A : memref<!tpu.dma_semaphore, #tpu.memory_space<semaphore_mem>>)
      %dma_wait3A = arith.constant 50 : i32
      %dma_wait3A_128 = arith.constant 0 : i32
      %dma_wait3A_129 = tpu.memref_slice %arg4[%arg1, %dma_wait3A, %dma_wait3A_128] : memref<16x125x80xi32, #tpu.memory_space<hbm>> -> memref<1x25x80xi32, #tpu.memory_space<hbm>>
      %dma_wait3A_130 = tpu.memref_squeeze %dma_wait3A_129 : memref<1x25x80xi32, #tpu.memory_space<hbm>> -> memref<25x80xi32, #tpu.memory_space<hbm>>
      %dma_wait3A_131 = arith.constant 50 : i32
      %dma_wait3A_132 = arith.constant 0 : i32
      %dma_wait3A_133 = tpu.memref_slice %arg4[%arg1, %dma_wait3A_131, %dma_wait3A_132] : memref<16x125x80xi32, #tpu.memory_space<hbm>> -> memref<1x25x80xi32, #tpu.memory_space<hbm>>
      %dma_wait3A_134 = tpu.memref_squeeze %dma_wait3A_133 : memref<1x25x80xi32, #tpu.memory_space<hbm>> -> memref<25x80xi32, #tpu.memory_space<hbm>>
      tpu.wait_dma2 semaphore(%run_scoped3A : memref<!tpu.dma_semaphore, #tpu.memory_space<semaphore_mem>>) src(%dma_wait3A_134 : memref<25x80xi32, #tpu.memory_space<hbm>>) dst(%arg7 : memref<25x80xi32, #tpu.memory_space<vmem>>)
      tpu.yield
    }) : () -> ()
    %scan3A_74 = arith.constant 0 : i32
    %scan3A_75 = arith.constant 0 : i32
    %scan3A_76 = arith.constant 25 : i32
    %scan3A_77 = arith.addi %scan3A_75, %scan3A_76 : i32
    %scan3A_78 = arith.constant 1 : i32
    %scan3A_79 = scf.for %scan3A_121 = %scan3A_75 to %scan3A_77 step %scan3A_78 iter_args(%scan3A_122 = %scan3A_74) -> (i32)  : i32 {
      %get3A = arith.index_cast %scan3A_121 : i32 to index
      %get3A_123 = arith.constant 0 : index
      %get3A_124 = tpu.vector_load %arg6[%get3A, %get3A_123] {strides = array<i32>} : memref<25x80xi32, #tpu.memory_space<vmem>>, vector<1x16xi32>,
      %get3A_125 = vector.shape_cast %get3A_124 : vector<1x16xi32> to vector<16xi32>
      %add3A_126 = vector.broadcast %mul3A_45 : i32 to vector<16xi32>
      %add3A_127 = arith.addi %get3A_125, %add3A_126 : vector<16xi32>
      %swap3A = arith.index_cast %scan3A_121 : i32 to index
      %swap3A_128 = arith.constant 0 : index
      %swap3A_129 = tpu.vector_load %arg6[%swap3A, %swap3A_128] {strides = array<i32>} : memref<25x80xi32, #tpu.memory_space<vmem>>, vector<1x16xi32>,
      %swap3A_130 = vector.shape_cast %swap3A_129 : vector<1x16xi32> to vector<16xi32>
      %swap3A_131 = vector.shape_cast %add3A_127 : vector<16xi32> to vector<1x16xi32>
      tpu.vector_store %arg6[%swap3A, %swap3A_128], %swap3A_131 {strides = array<i32>} : memref<25x80xi32, #tpu.memory_space<vmem>>, vector<1x16xi32>,
      %get3A_132 = arith.index_cast %scan3A_121 : i32 to index
      %get3A_133 = arith.constant 16 : index
      %get3A_134 = tpu.vector_load %arg6[%get3A_132, %get3A_133] {strides = array<i32>} : memref<25x80xi32, #tpu.memory_space<vmem>>, vector<1x16xi32>,
      %get3A_135 = vector.shape_cast %get3A_134 : vector<1x16xi32> to vector<16xi32>
      %add3A_136 = vector.broadcast %mul3A_45 : i32 to vector<16xi32>
      %add3A_137 = arith.addi %get3A_135, %add3A_136 : vector<16xi32>
      %swap3A_138 = arith.index_cast %scan3A_121 : i32 to index
      %swap3A_139 = arith.constant 16 : index
      %swap3A_140 = tpu.vector_load %arg6[%swap3A_138, %swap3A_139] {strides = array<i32>} : memref<25x80xi32, #tpu.memory_space<vmem>>, vector<1x16xi32>,
      %swap3A_141 = vector.shape_cast %swap3A_140 : vector<1x16xi32> to vector<16xi32>
      %swap3A_142 = vector.shape_cast %add3A_137 : vector<16xi32> to vector<1x16xi32>
      tpu.vector_store %arg6[%swap3A_138, %swap3A_139], %swap3A_142 {strides = array<i32>} : memref<25x80xi32, #tpu.memory_space<vmem>>, vector<1x16xi32>,
      %get3A_143 = arith.index_cast %scan3A_121 : i32 to index
      %get3A_144 = arith.constant 32 : index
      %get3A_145 = tpu.vector_load %arg6[%get3A_143, %get3A_144] {strides = array<i32>} : memref<25x80xi32, #tpu.memory_space<vmem>>, vector<1x16xi32>,
      %get3A_146 = vector.shape_cast %get3A_145 : vector<1x16xi32> to vector<16xi32>
      %add3A_147 = vector.broadcast %mul3A_45 : i32 to vector<16xi32>
      %add3A_148 = arith.addi %get3A_146, %add3A_147 : vector<16xi32>
      %swap3A_149 = arith.index_cast %scan3A_121 : i32 to index
      %swap3A_150 = arith.constant 32 : index
      %swap3A_151 = tpu.vector_load %arg6[%swap3A_149, %swap3A_150] {strides = array<i32>} : memref<25x80xi32, #tpu.memory_space<vmem>>, vector<1x16xi32>,
      %swap3A_152 = vector.shape_cast %swap3A_151 : vector<1x16xi32> to vector<16xi32>
      %swap3A_153 = vector.shape_cast %add3A_148 : vector<16xi32> to vector<1x16xi32>
      tpu.vector_store %arg6[%swap3A_149, %swap3A_150], %swap3A_153 {strides = array<i32>} : memref<25x80xi32, #tpu.memory_space<vmem>>, vector<1x16xi32>,
      %get3A_154 = arith.index_cast %scan3A_121 : i32 to index
      %get3A_155 = arith.constant 48 : index
      %get3A_156 = tpu.vector_load %arg6[%get3A_154, %get3A_155] {strides = array<i32>} : memref<25x80xi32, #tpu.memory_space<vmem>>, vector<1x16xi32>,
      %get3A_157 = vector.shape_cast %get3A_156 : vector<1x16xi32> to vector<16xi32>
      %add3A_158 = vector.broadcast %mul3A_45 : i32 to vector<16xi32>
      %add3A_159 = arith.addi %get3A_157, %add3A_158 : vector<16xi32>
      %swap3A_160 = arith.index_cast %scan3A_121 : i32 to index
      %swap3A_161 = arith.constant 48 : index
      %swap3A_162 = tpu.vector_load %arg6[%swap3A_160, %swap3A_161] {strides = array<i32>} : memref<25x80xi32, #tpu.memory_space<vmem>>, vector<1x16xi32>,
      %swap3A_163 = vector.shape_cast %swap3A_162 : vector<1x16xi32> to vector<16xi32>
      %swap3A_164 = vector.shape_cast %add3A_159 : vector<16xi32> to vector<1x16xi32>
      tpu.vector_store %arg6[%swap3A_160, %swap3A_161], %swap3A_164 {strides = array<i32>} : memref<25x80xi32, #tpu.memory_space<vmem>>, vector<1x16xi32>,
      %get3A_165 = arith.index_cast %scan3A_121 : i32 to index
      %get3A_166 = arith.constant 64 : index
      %get3A_167 = tpu.vector_load %arg6[%get3A_165, %get3A_166] {strides = array<i32>} : memref<25x80xi32, #tpu.memory_space<vmem>>, vector<1x16xi32>,
      %get3A_168 = vector.shape_cast %get3A_167 : vector<1x16xi32> to vector<16xi32>
      %add3A_169 = vector.broadcast %mul3A_45 : i32 to vector<16xi32>
      %add3A_170 = arith.addi %get3A_168, %add3A_169 : vector<16xi32>
      %swap3A_171 = arith.index_cast %scan3A_121 : i32 to index
      %swap3A_172 = arith.constant 64 : index
      %swap3A_173 = tpu.vector_load %arg6[%swap3A_171, %swap3A_172] {strides = array<i32>} : memref<25x80xi32, #tpu.memory_space<vmem>>, vector<1x16xi32>,
      %swap3A_174 = vector.shape_cast %swap3A_173 : vector<1x16xi32> to vector<16xi32>
      %swap3A_175 = vector.shape_cast %add3A_170 : vector<16xi32> to vector<1x16xi32>
      tpu.vector_store %arg6[%swap3A_171, %swap3A_172], %swap3A_175 {strides = array<i32>} : memref<25x80xi32, #tpu.memory_space<vmem>>, vector<1x16xi32>,
      %scan3A_176 = arith.constant 0 : i32
      scf.yield %scan3A_176 : i32
    }
    %scan3A_80 = arith.constant 25 : i32
    %scan3A_81 = arith.constant 0 : i32
    %scan3A_82 = arith.constant 0 : i32
    %scan3A_83 = arith.constant 25 : i32
    %scan3A_84 = arith.addi %scan3A_82, %scan3A_83 : i32
    %scan3A_85 = arith.constant 1 : i32
    %scan3A_86 = scf.for %scan3A_121 = %scan3A_82 to %scan3A_84 step %scan3A_85 iter_args(%scan3A_122 = %scan3A_81) -> (i32)  : i32 {
      %dma_start3A = arith.constant 0 : i32
      %dma_start3A_123 = tpu.memref_slice %arg6[%scan3A_121, %dma_start3A] : memref<25x80xi32, #tpu.memory_space<vmem>> -> memref<1x80xi32, #tpu.memory_space<vmem>>
      %dma_start3A_124 = tpu.memref_squeeze %dma_start3A_123 : memref<1x80xi32, #tpu.memory_space<vmem>> -> memref<80xi32, #tpu.memory_space<vmem>>
      %dma_start3A_125 = arith.constant 0 : i32
      %dma_start3A_126 = arith.constant 0 : i32
      %dma_start3A_127 = tpu.memref_slice %arg2[%dma_start3A_125, %dma_start3A_126] : memref<20000x144xf32, #tpu.memory_space<hbm>> -> memref<20000x144xf32, #tpu.memory_space<hbm>>
      tpu.enqueue_indirect_dma source(%dma_start3A_127 : memref<20000x144xf32, #tpu.memory_space<hbm>>) target(%arg8 : memref<80x144xf32, #tpu.memory_space<vmem>>) offsets(%dma_start3A_124 : memref<80xi32, #tpu.memory_space<vmem>>) semaphore(%arg11 : memref<!tpu.dma_semaphore, #tpu.memory_space<semaphore_mem>>)
      %dma_wait3A = arith.constant 0 : i32
      %dma_wait3A_128 = tpu.memref_slice %arg6[%scan3A_121, %dma_wait3A] : memref<25x80xi32, #tpu.memory_space<vmem>> -> memref<1x80xi32, #tpu.memory_space<vmem>>
      %dma_wait3A_129 = tpu.memref_squeeze %dma_wait3A_128 : memref<1x80xi32, #tpu.memory_space<vmem>> -> memref<80xi32, #tpu.memory_space<vmem>>
      %dma_wait3A_130 = arith.constant 0 : i32
      %dma_wait3A_131 = arith.constant 0 : i32
      %dma_wait3A_132 = tpu.memref_slice %arg2[%dma_wait3A_130, %dma_wait3A_131] : memref<20000x144xf32, #tpu.memory_space<hbm>> -> memref<20000x144xf32, #tpu.memory_space<hbm>>
      tpu.wait_indirect_dma semaphore(%arg11 : memref<!tpu.dma_semaphore, #tpu.memory_space<semaphore_mem>>) src(%dma_wait3A_132 : memref<20000x144xf32, #tpu.memory_space<hbm>>) dst(%arg8 : memref<80x144xf32, #tpu.memory_space<vmem>>)
      "tpu.region"() ({
        %run_scoped3A = tpu.sem_alloc : memref<!tpu.dma_semaphore, #tpu.memory_space<semaphore_mem>>
        %dma_start3A_134 = arith.constant 0 : i32
        %dma_start3A_135 = tpu.memref_slice %arg7[%scan3A_121, %dma_start3A_134] : memref<25x80xi32, #tpu.memory_space<vmem>> -> memref<1x80xi32, #tpu.memory_space<vmem>>
        %dma_start3A_136 = tpu.memref_squeeze %dma_start3A_135 : memref<1x80xi32, #tpu.memory_space<vmem>> -> memref<80xi32, #tpu.memory_space<vmem>>
        %dma_start3A_137 = arith.constant 0 : i32
        %dma_start3A_138 = arith.constant 0 : i32
        %dma_start3A_139 = tpu.memref_slice %arg10[%dma_start3A_137, %dma_start3A_138] : memref<10240x144xf32, #tpu.memory_space<vmem_shared>> -> memref<10240x144xf32, #tpu.memory_space<vmem_shared>>
        tpu.enqueue_indirect_dma source(%arg8 : memref<80x144xf32, #tpu.memory_space<vmem>>) target(%dma_start3A_139 : memref<10240x144xf32, #tpu.memory_space<vmem_shared>>) offsets(%dma_start3A_136 : memref<80xi32, #tpu.memory_space<vmem>>) semaphore(%run_scoped3A : memref<!tpu.dma_semaphore, #tpu.memory_space<semaphore_mem>>) {add = true}
        %dma_wait3A_140 = arith.constant 0 : i32
        %dma_wait3A_141 = tpu.memref_slice %arg7[%scan3A_121, %dma_wait3A_140] : memref<25x80xi32, #tpu.memory_space<vmem>> -> memref<1x80xi32, #tpu.memory_space<vmem>>
        %dma_wait3A_142 = tpu.memref_squeeze %dma_wait3A_141 : memref<1x80xi32, #tpu.memory_space<vmem>> -> memref<80xi32, #tpu.memory_space<vmem>>
        %dma_wait3A_143 = arith.constant 0 : i32
        %dma_wait3A_144 = arith.constant 0 : i32
        %dma_wait3A_145 = tpu.memref_slice %arg10[%dma_wait3A_143, %dma_wait3A_144] : memref<10240x144xf32, #tpu.memory_space<vmem_shared>> -> memref<10240x144xf32, #tpu.memory_space<vmem_shared>>
        tpu.wait_indirect_dma semaphore(%run_scoped3A : memref<!tpu.dma_semaphore, #tpu.memory_space<semaphore_mem>>) src(%arg8 : memref<80x144xf32, #tpu.memory_space<vmem>>) dst(%dma_wait3A_145 : memref<10240x144xf32, #tpu.memory_space<vmem_shared>>)
        tpu.yield
      }) : () -> ()
      %scan3A_133 = arith.constant 0 : i32
      scf.yield %scan3A_133 : i32
    }
    %scan3A_87 = arith.constant 25 : i32
    "tpu.region"() ({
      %run_scoped3A = tpu.sem_alloc : memref<!tpu.dma_semaphore, #tpu.memory_space<semaphore_mem>>
      %dma_start3A = arith.constant 75 : i32
      %dma_start3A_121 = arith.constant 0 : i32
      %dma_start3A_122 = tpu.memref_slice %arg3[%arg1, %dma_start3A, %dma_start3A_121] : memref<16x125x80xi32, #tpu.memory_space<hbm>> -> memref<1x25x80xi32, #tpu.memory_space<hbm>>
      %dma_start3A_123 = tpu.memref_squeeze %dma_start3A_122 : memref<1x25x80xi32, #tpu.memory_space<hbm>> -> memref<25x80xi32, #tpu.memory_space<hbm>>
      %dma_start3A_124 = arith.constant 75 : i32
      %dma_start3A_125 = arith.constant 0 : i32
      %dma_start3A_126 = tpu.memref_slice %arg3[%arg1, %dma_start3A_124, %dma_start3A_125] : memref<16x125x80xi32, #tpu.memory_space<hbm>> -> memref<1x25x80xi32, #tpu.memory_space<hbm>>
      %dma_start3A_127 = tpu.memref_squeeze %dma_start3A_126 : memref<1x25x80xi32, #tpu.memory_space<hbm>> -> memref<25x80xi32, #tpu.memory_space<hbm>>
      tpu.enqueue_dma source(%dma_start3A_127 : memref<25x80xi32, #tpu.memory_space<hbm>>) target(%arg6 : memref<25x80xi32, #tpu.memory_space<vmem>>) target_semaphore(%run_scoped3A : memref<!tpu.dma_semaphore, #tpu.memory_space<semaphore_mem>>)
      %dma_wait3A = arith.constant 75 : i32
      %dma_wait3A_128 = arith.constant 0 : i32
      %dma_wait3A_129 = tpu.memref_slice %arg3[%arg1, %dma_wait3A, %dma_wait3A_128] : memref<16x125x80xi32, #tpu.memory_space<hbm>> -> memref<1x25x80xi32, #tpu.memory_space<hbm>>
      %dma_wait3A_130 = tpu.memref_squeeze %dma_wait3A_129 : memref<1x25x80xi32, #tpu.memory_space<hbm>> -> memref<25x80xi32, #tpu.memory_space<hbm>>
      %dma_wait3A_131 = arith.constant 75 : i32
      %dma_wait3A_132 = arith.constant 0 : i32
      %dma_wait3A_133 = tpu.memref_slice %arg3[%arg1, %dma_wait3A_131, %dma_wait3A_132] : memref<16x125x80xi32, #tpu.memory_space<hbm>> -> memref<1x25x80xi32, #tpu.memory_space<hbm>>
      %dma_wait3A_134 = tpu.memref_squeeze %dma_wait3A_133 : memref<1x25x80xi32, #tpu.memory_space<hbm>> -> memref<25x80xi32, #tpu.memory_space<hbm>>
      tpu.wait_dma2 semaphore(%run_scoped3A : memref<!tpu.dma_semaphore, #tpu.memory_space<semaphore_mem>>) src(%dma_wait3A_134 : memref<25x80xi32, #tpu.memory_space<hbm>>) dst(%arg6 : memref<25x80xi32, #tpu.memory_space<vmem>>)
      tpu.yield
    }) : () -> ()
    "tpu.region"() ({
      %run_scoped3A = tpu.sem_alloc : memref<!tpu.dma_semaphore, #tpu.memory_space<semaphore_mem>>
      %dma_start3A = arith.constant 75 : i32
      %dma_start3A_121 = arith.constant 0 : i32
      %dma_start3A_122 = tpu.memref_slice %arg4[%arg1, %dma_start3A, %dma_start3A_121] : memref<16x125x80xi32, #tpu.memory_space<hbm>> -> memref<1x25x80xi32, #tpu.memory_space<hbm>>
      %dma_start3A_123 = tpu.memref_squeeze %dma_start3A_122 : memref<1x25x80xi32, #tpu.memory_space<hbm>> -> memref<25x80xi32, #tpu.memory_space<hbm>>
      %dma_start3A_124 = arith.constant 75 : i32
      %dma_start3A_125 = arith.constant 0 : i32
      %dma_start3A_126 = tpu.memref_slice %arg4[%arg1, %dma_start3A_124, %dma_start3A_125] : memref<16x125x80xi32, #tpu.memory_space<hbm>> -> memref<1x25x80xi32, #tpu.memory_space<hbm>>
      %dma_start3A_127 = tpu.memref_squeeze %dma_start3A_126 : memref<1x25x80xi32, #tpu.memory_space<hbm>> -> memref<25x80xi32, #tpu.memory_space<hbm>>
      tpu.enqueue_dma source(%dma_start3A_127 : memref<25x80xi32, #tpu.memory_space<hbm>>) target(%arg7 : memref<25x80xi32, #tpu.memory_space<vmem>>) target_semaphore(%run_scoped3A : memref<!tpu.dma_semaphore, #tpu.memory_space<semaphore_mem>>)
      %dma_wait3A = arith.constant 75 : i32
      %dma_wait3A_128 = arith.constant 0 : i32
      %dma_wait3A_129 = tpu.memref_slice %arg4[%arg1, %dma_wait3A, %dma_wait3A_128] : memref<16x125x80xi32, #tpu.memory_space<hbm>> -> memref<1x25x80xi32, #tpu.memory_space<hbm>>
      %dma_wait3A_130 = tpu.memref_squeeze %dma_wait3A_129 : memref<1x25x80xi32, #tpu.memory_space<hbm>> -> memref<25x80xi32, #tpu.memory_space<hbm>>
      %dma_wait3A_131 = arith.constant 75 : i32
      %dma_wait3A_132 = arith.constant 0 : i32
      %dma_wait3A_133 = tpu.memref_slice %arg4[%arg1, %dma_wait3A_131, %dma_wait3A_132] : memref<16x125x80xi32, #tpu.memory_space<hbm>> -> memref<1x25x80xi32, #tpu.memory_space<hbm>>
      %dma_wait3A_134 = tpu.memref_squeeze %dma_wait3A_133 : memref<1x25x80xi32, #tpu.memory_space<hbm>> -> memref<25x80xi32, #tpu.memory_space<hbm>>
      tpu.wait_dma2 semaphore(%run_scoped3A : memref<!tpu.dma_semaphore, #tpu.memory_space<semaphore_mem>>) src(%dma_wait3A_134 : memref<25x80xi32, #tpu.memory_space<hbm>>) dst(%arg7 : memref<25x80xi32, #tpu.memory_space<vmem>>)
      tpu.yield
    }) : () -> ()
    %scan3A_88 = arith.constant 0 : i32
    %scan3A_89 = arith.constant 0 : i32
    %scan3A_90 = arith.constant 25 : i32
    %scan3A_91 = arith.addi %scan3A_89, %scan3A_90 : i32
    %scan3A_92 = arith.constant 1 : i32
    %scan3A_93 = scf.for %scan3A_121 = %scan3A_89 to %scan3A_91 step %scan3A_92 iter_args(%scan3A_122 = %scan3A_88) -> (i32)  : i32 {
      %get3A = arith.index_cast %scan3A_121 : i32 to index
      %get3A_123 = arith.constant 0 : index
      %get3A_124 = tpu.vector_load %arg6[%get3A, %get3A_123] {strides = array<i32>} : memref<25x80xi32, #tpu.memory_space<vmem>>, vector<1x16xi32>,
      %get3A_125 = vector.shape_cast %get3A_124 : vector<1x16xi32> to vector<16xi32>
      %add3A_126 = vector.broadcast %mul3A_45 : i32 to vector<16xi32>
      %add3A_127 = arith.addi %get3A_125, %add3A_126 : vector<16xi32>
      %swap3A = arith.index_cast %scan3A_121 : i32 to index
      %swap3A_128 = arith.constant 0 : index
      %swap3A_129 = tpu.vector_load %arg6[%swap3A, %swap3A_128] {strides = array<i32>} : memref<25x80xi32, #tpu.memory_space<vmem>>, vector<1x16xi32>,
      %swap3A_130 = vector.shape_cast %swap3A_129 : vector<1x16xi32> to vector<16xi32>
      %swap3A_131 = vector.shape_cast %add3A_127 : vector<16xi32> to vector<1x16xi32>
      tpu.vector_store %arg6[%swap3A, %swap3A_128], %swap3A_131 {strides = array<i32>} : memref<25x80xi32, #tpu.memory_space<vmem>>, vector<1x16xi32>,
      %get3A_132 = arith.index_cast %scan3A_121 : i32 to index
      %get3A_133 = arith.constant 16 : index
      %get3A_134 = tpu.vector_load %arg6[%get3A_132, %get3A_133] {strides = array<i32>} : memref<25x80xi32, #tpu.memory_space<vmem>>, vector<1x16xi32>,
      %get3A_135 = vector.shape_cast %get3A_134 : vector<1x16xi32> to vector<16xi32>
      %add3A_136 = vector.broadcast %mul3A_45 : i32 to vector<16xi32>
      %add3A_137 = arith.addi %get3A_135, %add3A_136 : vector<16xi32>
      %swap3A_138 = arith.index_cast %scan3A_121 : i32 to index
      %swap3A_139 = arith.constant 16 : index
      %swap3A_140 = tpu.vector_load %arg6[%swap3A_138, %swap3A_139] {strides = array<i32>} : memref<25x80xi32, #tpu.memory_space<vmem>>, vector<1x16xi32>,
      %swap3A_141 = vector.shape_cast %swap3A_140 : vector<1x16xi32> to vector<16xi32>
      %swap3A_142 = vector.shape_cast %add3A_137 : vector<16xi32> to vector<1x16xi32>
      tpu.vector_store %arg6[%swap3A_138, %swap3A_139], %swap3A_142 {strides = array<i32>} : memref<25x80xi32, #tpu.memory_space<vmem>>, vector<1x16xi32>,
      %get3A_143 = arith.index_cast %scan3A_121 : i32 to index
      %get3A_144 = arith.constant 32 : index
      %get3A_145 = tpu.vector_load %arg6[%get3A_143, %get3A_144] {strides = array<i32>} : memref<25x80xi32, #tpu.memory_space<vmem>>, vector<1x16xi32>,
      %get3A_146 = vector.shape_cast %get3A_145 : vector<1x16xi32> to vector<16xi32>
      %add3A_147 = vector.broadcast %mul3A_45 : i32 to vector<16xi32>
      %add3A_148 = arith.addi %get3A_146, %add3A_147 : vector<16xi32>
      %swap3A_149 = arith.index_cast %scan3A_121 : i32 to index
      %swap3A_150 = arith.constant 32 : index
      %swap3A_151 = tpu.vector_load %arg6[%swap3A_149, %swap3A_150] {strides = array<i32>} : memref<25x80xi32, #tpu.memory_space<vmem>>, vector<1x16xi32>,
      %swap3A_152 = vector.shape_cast %swap3A_151 : vector<1x16xi32> to vector<16xi32>
      %swap3A_153 = vector.shape_cast %add3A_148 : vector<16xi32> to vector<1x16xi32>
      tpu.vector_store %arg6[%swap3A_149, %swap3A_150], %swap3A_153 {strides = array<i32>} : memref<25x80xi32, #tpu.memory_space<vmem>>, vector<1x16xi32>,
      %get3A_154 = arith.index_cast %scan3A_121 : i32 to index
      %get3A_155 = arith.constant 48 : index
      %get3A_156 = tpu.vector_load %arg6[%get3A_154, %get3A_155] {strides = array<i32>} : memref<25x80xi32, #tpu.memory_space<vmem>>, vector<1x16xi32>,
      %get3A_157 = vector.shape_cast %get3A_156 : vector<1x16xi32> to vector<16xi32>
      %add3A_158 = vector.broadcast %mul3A_45 : i32 to vector<16xi32>
      %add3A_159 = arith.addi %get3A_157, %add3A_158 : vector<16xi32>
      %swap3A_160 = arith.index_cast %scan3A_121 : i32 to index
      %swap3A_161 = arith.constant 48 : index
      %swap3A_162 = tpu.vector_load %arg6[%swap3A_160, %swap3A_161] {strides = array<i32>} : memref<25x80xi32, #tpu.memory_space<vmem>>, vector<1x16xi32>,
      %swap3A_163 = vector.shape_cast %swap3A_162 : vector<1x16xi32> to vector<16xi32>
      %swap3A_164 = vector.shape_cast %add3A_159 : vector<16xi32> to vector<1x16xi32>
      tpu.vector_store %arg6[%swap3A_160, %swap3A_161], %swap3A_164 {strides = array<i32>} : memref<25x80xi32, #tpu.memory_space<vmem>>, vector<1x16xi32>,
      %get3A_165 = arith.index_cast %scan3A_121 : i32 to index
      %get3A_166 = arith.constant 64 : index
      %get3A_167 = tpu.vector_load %arg6[%get3A_165, %get3A_166] {strides = array<i32>} : memref<25x80xi32, #tpu.memory_space<vmem>>, vector<1x16xi32>,
      %get3A_168 = vector.shape_cast %get3A_167 : vector<1x16xi32> to vector<16xi32>
      %add3A_169 = vector.broadcast %mul3A_45 : i32 to vector<16xi32>
      %add3A_170 = arith.addi %get3A_168, %add3A_169 : vector<16xi32>
      %swap3A_171 = arith.index_cast %scan3A_121 : i32 to index
      %swap3A_172 = arith.constant 64 : index
      %swap3A_173 = tpu.vector_load %arg6[%swap3A_171, %swap3A_172] {strides = array<i32>} : memref<25x80xi32, #tpu.memory_space<vmem>>, vector<1x16xi32>,
      %swap3A_174 = vector.shape_cast %swap3A_173 : vector<1x16xi32> to vector<16xi32>
      %swap3A_175 = vector.shape_cast %add3A_170 : vector<16xi32> to vector<1x16xi32>
      tpu.vector_store %arg6[%swap3A_171, %swap3A_172], %swap3A_175 {strides = array<i32>} : memref<25x80xi32, #tpu.memory_space<vmem>>, vector<1x16xi32>,
      %scan3A_176 = arith.constant 0 : i32
      scf.yield %scan3A_176 : i32
    }
    %scan3A_94 = arith.constant 25 : i32
    %scan3A_95 = arith.constant 0 : i32
    %scan3A_96 = arith.constant 0 : i32
    %scan3A_97 = arith.constant 25 : i32
    %scan3A_98 = arith.addi %scan3A_96, %scan3A_97 : i32
    %scan3A_99 = arith.constant 1 : i32
    %scan3A_100 = scf.for %scan3A_121 = %scan3A_96 to %scan3A_98 step %scan3A_99 iter_args(%scan3A_122 = %scan3A_95) -> (i32)  : i32 {
      %dma_start3A = arith.constant 0 : i32
      %dma_start3A_123 = tpu.memref_slice %arg6[%scan3A_121, %dma_start3A] : memref<25x80xi32, #tpu.memory_space<vmem>> -> memref<1x80xi32, #tpu.memory_space<vmem>>
      %dma_start3A_124 = tpu.memref_squeeze %dma_start3A_123 : memref<1x80xi32, #tpu.memory_space<vmem>> -> memref<80xi32, #tpu.memory_space<vmem>>
      %dma_start3A_125 = arith.constant 0 : i32
      %dma_start3A_126 = arith.constant 0 : i32
      %dma_start3A_127 = tpu.memref_slice %arg2[%dma_start3A_125, %dma_start3A_126] : memref<20000x144xf32, #tpu.memory_space<hbm>> -> memref<20000x144xf32, #tpu.memory_space<hbm>>
      tpu.enqueue_indirect_dma source(%dma_start3A_127 : memref<20000x144xf32, #tpu.memory_space<hbm>>) target(%arg8 : memref<80x144xf32, #tpu.memory_space<vmem>>) offsets(%dma_start3A_124 : memref<80xi32, #tpu.memory_space<vmem>>) semaphore(%arg11 : memref<!tpu.dma_semaphore, #tpu.memory_space<semaphore_mem>>)
      %dma_wait3A = arith.constant 0 : i32
      %dma_wait3A_128 = tpu.memref_slice %arg6[%scan3A_121, %dma_wait3A] : memref<25x80xi32, #tpu.memory_space<vmem>> -> memref<1x80xi32, #tpu.memory_space<vmem>>
      %dma_wait3A_129 = tpu.memref_squeeze %dma_wait3A_128 : memref<1x80xi32, #tpu.memory_space<vmem>> -> memref<80xi32, #tpu.memory_space<vmem>>
      %dma_wait3A_130 = arith.constant 0 : i32
      %dma_wait3A_131 = arith.constant 0 : i32
      %dma_wait3A_132 = tpu.memref_slice %arg2[%dma_wait3A_130, %dma_wait3A_131] : memref<20000x144xf32, #tpu.memory_space<hbm>> -> memref<20000x144xf32, #tpu.memory_space<hbm>>
      tpu.wait_indirect_dma semaphore(%arg11 : memref<!tpu.dma_semaphore, #tpu.memory_space<semaphore_mem>>) src(%dma_wait3A_132 : memref<20000x144xf32, #tpu.memory_space<hbm>>) dst(%arg8 : memref<80x144xf32, #tpu.memory_space<vmem>>)
      "tpu.region"() ({
        %run_scoped3A = tpu.sem_alloc : memref<!tpu.dma_semaphore, #tpu.memory_space<semaphore_mem>>
        %dma_start3A_134 = arith.constant 0 : i32
        %dma_start3A_135 = tpu.memref_slice %arg7[%scan3A_121, %dma_start3A_134] : memref<25x80xi32, #tpu.memory_space<vmem>> -> memref<1x80xi32, #tpu.memory_space<vmem>>
        %dma_start3A_136 = tpu.memref_squeeze %dma_start3A_135 : memref<1x80xi32, #tpu.memory_space<vmem>> -> memref<80xi32, #tpu.memory_space<vmem>>
        %dma_start3A_137 = arith.constant 0 : i32
        %dma_start3A_138 = arith.constant 0 : i32
        %dma_start3A_139 = tpu.memref_slice %arg10[%dma_start3A_137, %dma_start3A_138] : memref<10240x144xf32, #tpu.memory_space<vmem_shared>> -> memref<10240x144xf32, #tpu.memory_space<vmem_shared>>
        tpu.enqueue_indirect_dma source(%arg8 : memref<80x144xf32, #tpu.memory_space<vmem>>) target(%dma_start3A_139 : memref<10240x144xf32, #tpu.memory_space<vmem_shared>>) offsets(%dma_start3A_136 : memref<80xi32, #tpu.memory_space<vmem>>) semaphore(%run_scoped3A : memref<!tpu.dma_semaphore, #tpu.memory_space<semaphore_mem>>) {add = true}
        %dma_wait3A_140 = arith.constant 0 : i32
        %dma_wait3A_141 = tpu.memref_slice %arg7[%scan3A_121, %dma_wait3A_140] : memref<25x80xi32, #tpu.memory_space<vmem>> -> memref<1x80xi32, #tpu.memory_space<vmem>>
        %dma_wait3A_142 = tpu.memref_squeeze %dma_wait3A_141 : memref<1x80xi32, #tpu.memory_space<vmem>> -> memref<80xi32, #tpu.memory_space<vmem>>
        %dma_wait3A_143 = arith.constant 0 : i32
        %dma_wait3A_144 = arith.constant 0 : i32
        %dma_wait3A_145 = tpu.memref_slice %arg10[%dma_wait3A_143, %dma_wait3A_144] : memref<10240x144xf32, #tpu.memory_space<vmem_shared>> -> memref<10240x144xf32, #tpu.memory_space<vmem_shared>>
        tpu.wait_indirect_dma semaphore(%run_scoped3A : memref<!tpu.dma_semaphore, #tpu.memory_space<semaphore_mem>>) src(%arg8 : memref<80x144xf32, #tpu.memory_space<vmem>>) dst(%dma_wait3A_145 : memref<10240x144xf32, #tpu.memory_space<vmem_shared>>)
        tpu.yield
      }) : () -> ()
      %scan3A_133 = arith.constant 0 : i32
      scf.yield %scan3A_133 : i32
    }
    %scan3A_101 = arith.constant 25 : i32
    "tpu.region"() ({
      %run_scoped3A = tpu.sem_alloc : memref<!tpu.dma_semaphore, #tpu.memory_space<semaphore_mem>>
      %dma_start3A = arith.constant 100 : i32
      %dma_start3A_121 = arith.constant 0 : i32
      %dma_start3A_122 = tpu.memref_slice %arg3[%arg1, %dma_start3A, %dma_start3A_121] : memref<16x125x80xi32, #tpu.memory_space<hbm>> -> memref<1x25x80xi32, #tpu.memory_space<hbm>>
      %dma_start3A_123 = tpu.memref_squeeze %dma_start3A_122 : memref<1x25x80xi32, #tpu.memory_space<hbm>> -> memref<25x80xi32, #tpu.memory_space<hbm>>
      %dma_start3A_124 = arith.constant 100 : i32
      %dma_start3A_125 = arith.constant 0 : i32
      %dma_start3A_126 = tpu.memref_slice %arg3[%arg1, %dma_start3A_124, %dma_start3A_125] : memref<16x125x80xi32, #tpu.memory_space<hbm>> -> memref<1x25x80xi32, #tpu.memory_space<hbm>>
      %dma_start3A_127 = tpu.memref_squeeze %dma_start3A_126 : memref<1x25x80xi32, #tpu.memory_space<hbm>> -> memref<25x80xi32, #tpu.memory_space<hbm>>
      tpu.enqueue_dma source(%dma_start3A_127 : memref<25x80xi32, #tpu.memory_space<hbm>>) target(%arg6 : memref<25x80xi32, #tpu.memory_space<vmem>>) target_semaphore(%run_scoped3A : memref<!tpu.dma_semaphore, #tpu.memory_space<semaphore_mem>>)
      %dma_wait3A = arith.constant 100 : i32
      %dma_wait3A_128 = arith.constant 0 : i32
      %dma_wait3A_129 = tpu.memref_slice %arg3[%arg1, %dma_wait3A, %dma_wait3A_128] : memref<16x125x80xi32, #tpu.memory_space<hbm>> -> memref<1x25x80xi32, #tpu.memory_space<hbm>>
      %dma_wait3A_130 = tpu.memref_squeeze %dma_wait3A_129 : memref<1x25x80xi32, #tpu.memory_space<hbm>> -> memref<25x80xi32, #tpu.memory_space<hbm>>
      %dma_wait3A_131 = arith.constant 100 : i32
      %dma_wait3A_132 = arith.constant 0 : i32
      %dma_wait3A_133 = tpu.memref_slice %arg3[%arg1, %dma_wait3A_131, %dma_wait3A_132] : memref<16x125x80xi32, #tpu.memory_space<hbm>> -> memref<1x25x80xi32, #tpu.memory_space<hbm>>
      %dma_wait3A_134 = tpu.memref_squeeze %dma_wait3A_133 : memref<1x25x80xi32, #tpu.memory_space<hbm>> -> memref<25x80xi32, #tpu.memory_space<hbm>>
      tpu.wait_dma2 semaphore(%run_scoped3A : memref<!tpu.dma_semaphore, #tpu.memory_space<semaphore_mem>>) src(%dma_wait3A_134 : memref<25x80xi32, #tpu.memory_space<hbm>>) dst(%arg6 : memref<25x80xi32, #tpu.memory_space<vmem>>)
      tpu.yield
    }) : () -> ()
    "tpu.region"() ({
      %run_scoped3A = tpu.sem_alloc : memref<!tpu.dma_semaphore, #tpu.memory_space<semaphore_mem>>
      %dma_start3A = arith.constant 100 : i32
      %dma_start3A_121 = arith.constant 0 : i32
      %dma_start3A_122 = tpu.memref_slice %arg4[%arg1, %dma_start3A, %dma_start3A_121] : memref<16x125x80xi32, #tpu.memory_space<hbm>> -> memref<1x25x80xi32, #tpu.memory_space<hbm>>
      %dma_start3A_123 = tpu.memref_squeeze %dma_start3A_122 : memref<1x25x80xi32, #tpu.memory_space<hbm>> -> memref<25x80xi32, #tpu.memory_space<hbm>>
      %dma_start3A_124 = arith.constant 100 : i32
      %dma_start3A_125 = arith.constant 0 : i32
      %dma_start3A_126 = tpu.memref_slice %arg4[%arg1, %dma_start3A_124, %dma_start3A_125] : memref<16x125x80xi32, #tpu.memory_space<hbm>> -> memref<1x25x80xi32, #tpu.memory_space<hbm>>
      %dma_start3A_127 = tpu.memref_squeeze %dma_start3A_126 : memref<1x25x80xi32, #tpu.memory_space<hbm>> -> memref<25x80xi32, #tpu.memory_space<hbm>>
      tpu.enqueue_dma source(%dma_start3A_127 : memref<25x80xi32, #tpu.memory_space<hbm>>) target(%arg7 : memref<25x80xi32, #tpu.memory_space<vmem>>) target_semaphore(%run_scoped3A : memref<!tpu.dma_semaphore, #tpu.memory_space<semaphore_mem>>)
      %dma_wait3A = arith.constant 100 : i32
      %dma_wait3A_128 = arith.constant 0 : i32
      %dma_wait3A_129 = tpu.memref_slice %arg4[%arg1, %dma_wait3A, %dma_wait3A_128] : memref<16x125x80xi32, #tpu.memory_space<hbm>> -> memref<1x25x80xi32, #tpu.memory_space<hbm>>
      %dma_wait3A_130 = tpu.memref_squeeze %dma_wait3A_129 : memref<1x25x80xi32, #tpu.memory_space<hbm>> -> memref<25x80xi32, #tpu.memory_space<hbm>>
      %dma_wait3A_131 = arith.constant 100 : i32
      %dma_wait3A_132 = arith.constant 0 : i32
      %dma_wait3A_133 = tpu.memref_slice %arg4[%arg1, %dma_wait3A_131, %dma_wait3A_132] : memref<16x125x80xi32, #tpu.memory_space<hbm>> -> memref<1x25x80xi32, #tpu.memory_space<hbm>>
      %dma_wait3A_134 = tpu.memref_squeeze %dma_wait3A_133 : memref<1x25x80xi32, #tpu.memory_space<hbm>> -> memref<25x80xi32, #tpu.memory_space<hbm>>
      tpu.wait_dma2 semaphore(%run_scoped3A : memref<!tpu.dma_semaphore, #tpu.memory_space<semaphore_mem>>) src(%dma_wait3A_134 : memref<25x80xi32, #tpu.memory_space<hbm>>) dst(%arg7 : memref<25x80xi32, #tpu.memory_space<vmem>>)
      tpu.yield
    }) : () -> ()
    %scan3A_102 = arith.constant 0 : i32
    %scan3A_103 = arith.constant 0 : i32
    %scan3A_104 = arith.constant 25 : i32
    %scan3A_105 = arith.addi %scan3A_103, %scan3A_104 : i32
    %scan3A_106 = arith.constant 1 : i32
    %scan3A_107 = scf.for %scan3A_121 = %scan3A_103 to %scan3A_105 step %scan3A_106 iter_args(%scan3A_122 = %scan3A_102) -> (i32)  : i32 {
      %get3A = arith.index_cast %scan3A_121 : i32 to index
      %get3A_123 = arith.constant 0 : index
      %get3A_124 = tpu.vector_load %arg6[%get3A, %get3A_123] {strides = array<i32>} : memref<25x80xi32, #tpu.memory_space<vmem>>, vector<1x16xi32>,
      %get3A_125 = vector.shape_cast %get3A_124 : vector<1x16xi32> to vector<16xi32>
      %add3A_126 = vector.broadcast %mul3A_45 : i32 to vector<16xi32>
      %add3A_127 = arith.addi %get3A_125, %add3A_126 : vector<16xi32>
      %swap3A = arith.index_cast %scan3A_121 : i32 to index
      %swap3A_128 = arith.constant 0 : index
      %swap3A_129 = tpu.vector_load %arg6[%swap3A, %swap3A_128] {strides = array<i32>} : memref<25x80xi32, #tpu.memory_space<vmem>>, vector<1x16xi32>,
      %swap3A_130 = vector.shape_cast %swap3A_129 : vector<1x16xi32> to vector<16xi32>
      %swap3A_131 = vector.shape_cast %add3A_127 : vector<16xi32> to vector<1x16xi32>
      tpu.vector_store %arg6[%swap3A, %swap3A_128], %swap3A_131 {strides = array<i32>} : memref<25x80xi32, #tpu.memory_space<vmem>>, vector<1x16xi32>,
      %get3A_132 = arith.index_cast %scan3A_121 : i32 to index
      %get3A_133 = arith.constant 16 : index
      %get3A_134 = tpu.vector_load %arg6[%get3A_132, %get3A_133] {strides = array<i32>} : memref<25x80xi32, #tpu.memory_space<vmem>>, vector<1x16xi32>,
      %get3A_135 = vector.shape_cast %get3A_134 : vector<1x16xi32> to vector<16xi32>
      %add3A_136 = vector.broadcast %mul3A_45 : i32 to vector<16xi32>
      %add3A_137 = arith.addi %get3A_135, %add3A_136 : vector<16xi32>
      %swap3A_138 = arith.index_cast %scan3A_121 : i32 to index
      %swap3A_139 = arith.constant 16 : index
      %swap3A_140 = tpu.vector_load %arg6[%swap3A_138, %swap3A_139] {strides = array<i32>} : memref<25x80xi32, #tpu.memory_space<vmem>>, vector<1x16xi32>,
      %swap3A_141 = vector.shape_cast %swap3A_140 : vector<1x16xi32> to vector<16xi32>
      %swap3A_142 = vector.shape_cast %add3A_137 : vector<16xi32> to vector<1x16xi32>
      tpu.vector_store %arg6[%swap3A_138, %swap3A_139], %swap3A_142 {strides = array<i32>} : memref<25x80xi32, #tpu.memory_space<vmem>>, vector<1x16xi32>,
      %get3A_143 = arith.index_cast %scan3A_121 : i32 to index
      %get3A_144 = arith.constant 32 : index
      %get3A_145 = tpu.vector_load %arg6[%get3A_143, %get3A_144] {strides = array<i32>} : memref<25x80xi32, #tpu.memory_space<vmem>>, vector<1x16xi32>,
      %get3A_146 = vector.shape_cast %get3A_145 : vector<1x16xi32> to vector<16xi32>
      %add3A_147 = vector.broadcast %mul3A_45 : i32 to vector<16xi32>
      %add3A_148 = arith.addi %get3A_146, %add3A_147 : vector<16xi32>
      %swap3A_149 = arith.index_cast %scan3A_121 : i32 to index
      %swap3A_150 = arith.constant 32 : index
      %swap3A_151 = tpu.vector_load %arg6[%swap3A_149, %swap3A_150] {strides = array<i32>} : memref<25x80xi32, #tpu.memory_space<vmem>>, vector<1x16xi32>,
      %swap3A_152 = vector.shape_cast %swap3A_151 : vector<1x16xi32> to vector<16xi32>
      %swap3A_153 = vector.shape_cast %add3A_148 : vector<16xi32> to vector<1x16xi32>
      tpu.vector_store %arg6[%swap3A_149, %swap3A_150], %swap3A_153 {strides = array<i32>} : memref<25x80xi32, #tpu.memory_space<vmem>>, vector<1x16xi32>,
      %get3A_154 = arith.index_cast %scan3A_121 : i32 to index
      %get3A_155 = arith.constant 48 : index
      %get3A_156 = tpu.vector_load %arg6[%get3A_154, %get3A_155] {strides = array<i32>} : memref<25x80xi32, #tpu.memory_space<vmem>>, vector<1x16xi32>,
      %get3A_157 = vector.shape_cast %get3A_156 : vector<1x16xi32> to vector<16xi32>
      %add3A_158 = vector.broadcast %mul3A_45 : i32 to vector<16xi32>
      %add3A_159 = arith.addi %get3A_157, %add3A_158 : vector<16xi32>
      %swap3A_160 = arith.index_cast %scan3A_121 : i32 to index
      %swap3A_161 = arith.constant 48 : index
      %swap3A_162 = tpu.vector_load %arg6[%swap3A_160, %swap3A_161] {strides = array<i32>} : memref<25x80xi32, #tpu.memory_space<vmem>>, vector<1x16xi32>,
      %swap3A_163 = vector.shape_cast %swap3A_162 : vector<1x16xi32> to vector<16xi32>
      %swap3A_164 = vector.shape_cast %add3A_159 : vector<16xi32> to vector<1x16xi32>
      tpu.vector_store %arg6[%swap3A_160, %swap3A_161], %swap3A_164 {strides = array<i32>} : memref<25x80xi32, #tpu.memory_space<vmem>>, vector<1x16xi32>,
      %get3A_165 = arith.index_cast %scan3A_121 : i32 to index
      %get3A_166 = arith.constant 64 : index
      %get3A_167 = tpu.vector_load %arg6[%get3A_165, %get3A_166] {strides = array<i32>} : memref<25x80xi32, #tpu.memory_space<vmem>>, vector<1x16xi32>,
      %get3A_168 = vector.shape_cast %get3A_167 : vector<1x16xi32> to vector<16xi32>
      %add3A_169 = vector.broadcast %mul3A_45 : i32 to vector<16xi32>
      %add3A_170 = arith.addi %get3A_168, %add3A_169 : vector<16xi32>
      %swap3A_171 = arith.index_cast %scan3A_121 : i32 to index
      %swap3A_172 = arith.constant 64 : index
      %swap3A_173 = tpu.vector_load %arg6[%swap3A_171, %swap3A_172] {strides = array<i32>} : memref<25x80xi32, #tpu.memory_space<vmem>>, vector<1x16xi32>,
      %swap3A_174 = vector.shape_cast %swap3A_173 : vector<1x16xi32> to vector<16xi32>
      %swap3A_175 = vector.shape_cast %add3A_170 : vector<16xi32> to vector<1x16xi32>
      tpu.vector_store %arg6[%swap3A_171, %swap3A_172], %swap3A_175 {strides = array<i32>} : memref<25x80xi32, #tpu.memory_space<vmem>>, vector<1x16xi32>,
      %scan3A_176 = arith.constant 0 : i32
      scf.yield %scan3A_176 : i32
    }
    %scan3A_108 = arith.constant 25 : i32
    %scan3A_109 = arith.constant 0 : i32
    %scan3A_110 = arith.constant 0 : i32
    %scan3A_111 = arith.constant 25 : i32
    %scan3A_112 = arith.addi %scan3A_110, %scan3A_111 : i32
    %scan3A_113 = arith.constant 1 : i32
    %scan3A_114 = scf.for %scan3A_121 = %scan3A_110 to %scan3A_112 step %scan3A_113 iter_args(%scan3A_122 = %scan3A_109) -> (i32)  : i32 {
      %dma_start3A = arith.constant 0 : i32
      %dma_start3A_123 = tpu.memref_slice %arg6[%scan3A_121, %dma_start3A] : memref<25x80xi32, #tpu.memory_space<vmem>> -> memref<1x80xi32, #tpu.memory_space<vmem>>
      %dma_start3A_124 = tpu.memref_squeeze %dma_start3A_123 : memref<1x80xi32, #tpu.memory_space<vmem>> -> memref<80xi32, #tpu.memory_space<vmem>>
      %dma_start3A_125 = arith.constant 0 : i32
      %dma_start3A_126 = arith.constant 0 : i32
      %dma_start3A_127 = tpu.memref_slice %arg2[%dma_start3A_125, %dma_start3A_126] : memref<20000x144xf32, #tpu.memory_space<hbm>> -> memref<20000x144xf32, #tpu.memory_space<hbm>>
      tpu.enqueue_indirect_dma source(%dma_start3A_127 : memref<20000x144xf32, #tpu.memory_space<hbm>>) target(%arg8 : memref<80x144xf32, #tpu.memory_space<vmem>>) offsets(%dma_start3A_124 : memref<80xi32, #tpu.memory_space<vmem>>) semaphore(%arg11 : memref<!tpu.dma_semaphore, #tpu.memory_space<semaphore_mem>>)
      %dma_wait3A = arith.constant 0 : i32
      %dma_wait3A_128 = tpu.memref_slice %arg6[%scan3A_121, %dma_wait3A] : memref<25x80xi32, #tpu.memory_space<vmem>> -> memref<1x80xi32, #tpu.memory_space<vmem>>
      %dma_wait3A_129 = tpu.memref_squeeze %dma_wait3A_128 : memref<1x80xi32, #tpu.memory_space<vmem>> -> memref<80xi32, #tpu.memory_space<vmem>>
      %dma_wait3A_130 = arith.constant 0 : i32
      %dma_wait3A_131 = arith.constant 0 : i32
      %dma_wait3A_132 = tpu.memref_slice %arg2[%dma_wait3A_130, %dma_wait3A_131] : memref<20000x144xf32, #tpu.memory_space<hbm>> -> memref<20000x144xf32, #tpu.memory_space<hbm>>
      tpu.wait_indirect_dma semaphore(%arg11 : memref<!tpu.dma_semaphore, #tpu.memory_space<semaphore_mem>>) src(%dma_wait3A_132 : memref<20000x144xf32, #tpu.memory_space<hbm>>) dst(%arg8 : memref<80x144xf32, #tpu.memory_space<vmem>>)
      "tpu.region"() ({
        %run_scoped3A = tpu.sem_alloc : memref<!tpu.dma_semaphore, #tpu.memory_space<semaphore_mem>>
        %dma_start3A_134 = arith.constant 0 : i32
        %dma_start3A_135 = tpu.memref_slice %arg7[%scan3A_121, %dma_start3A_134] : memref<25x80xi32, #tpu.memory_space<vmem>> -> memref<1x80xi32, #tpu.memory_space<vmem>>
        %dma_start3A_136 = tpu.memref_squeeze %dma_start3A_135 : memref<1x80xi32, #tpu.memory_space<vmem>> -> memref<80xi32, #tpu.memory_space<vmem>>
        %dma_start3A_137 = arith.constant 0 : i32
        %dma_start3A_138 = arith.constant 0 : i32
        %dma_start3A_139 = tpu.memref_slice %arg10[%dma_start3A_137, %dma_start3A_138] : memref<10240x144xf32, #tpu.memory_space<vmem_shared>> -> memref<10240x144xf32, #tpu.memory_space<vmem_shared>>
        tpu.enqueue_indirect_dma source(%arg8 : memref<80x144xf32, #tpu.memory_space<vmem>>) target(%dma_start3A_139 : memref<10240x144xf32, #tpu.memory_space<vmem_shared>>) offsets(%dma_start3A_136 : memref<80xi32, #tpu.memory_space<vmem>>) semaphore(%run_scoped3A : memref<!tpu.dma_semaphore, #tpu.memory_space<semaphore_mem>>) {add = true}
        %dma_wait3A_140 = arith.constant 0 : i32
        %dma_wait3A_141 = tpu.memref_slice %arg7[%scan3A_121, %dma_wait3A_140] : memref<25x80xi32, #tpu.memory_space<vmem>> -> memref<1x80xi32, #tpu.memory_space<vmem>>
        %dma_wait3A_142 = tpu.memref_squeeze %dma_wait3A_141 : memref<1x80xi32, #tpu.memory_space<vmem>> -> memref<80xi32, #tpu.memory_space<vmem>>
        %dma_wait3A_143 = arith.constant 0 : i32
        %dma_wait3A_144 = arith.constant 0 : i32
        %dma_wait3A_145 = tpu.memref_slice %arg10[%dma_wait3A_143, %dma_wait3A_144] : memref<10240x144xf32, #tpu.memory_space<vmem_shared>> -> memref<10240x144xf32, #tpu.memory_space<vmem_shared>>
        tpu.wait_indirect_dma semaphore(%run_scoped3A : memref<!tpu.dma_semaphore, #tpu.memory_space<semaphore_mem>>) src(%arg8 : memref<80x144xf32, #tpu.memory_space<vmem>>) dst(%dma_wait3A_145 : memref<10240x144xf32, #tpu.memory_space<vmem_shared>>)
        tpu.yield
      }) : () -> ()
      %scan3A_133 = arith.constant 0 : i32
      scf.yield %scan3A_133 : i32
    }
    %scan3A_115 = arith.constant 25 : i32
    %barrier3A_116 = arith.constant 0 : index
    tpu.barrier barrier_id(%barrier3A_116)
    %mul3A_117 = arith.constant 640 : i32
    %mul3A_118 = arith.muli %arg1, %mul3A_117 : i32
    %mul3A_119 = arith.constant 640 : i32
    %mul3A_120 = arith.muli %arg1, %mul3A_119 : i32
    "tpu.region"() ({
      %run_scoped3A = tpu.sem_alloc : memref<!tpu.dma_semaphore, #tpu.memory_space<semaphore_mem>>
      %dma_start3A = arith.constant 0 : i32
      %dma_start3A_121 = tpu.memref_slice %arg5[%arg0, %mul3A_120, %dma_start3A] : memref<2x10240x144xf32, #tpu.memory_space<hbm>> -> memref<1x640x144xf32, #tpu.memory_space<hbm>>
      %dma_start3A_122 = tpu.memref_squeeze %dma_start3A_121 : memref<1x640x144xf32, #tpu.memory_space<hbm>> -> memref<640x144xf32, #tpu.memory_space<hbm>>
      %dma_start3A_123 = arith.constant 0 : i32
      %dma_start3A_124 = tpu.memref_slice %arg10[%mul3A_118, %dma_start3A_123] : memref<10240x144xf32, #tpu.memory_space<vmem_shared>> -> memref<640x144xf32, #tpu.memory_space<vmem_shared>>
      tpu.enqueue_dma source(%dma_start3A_124 : memref<640x144xf32, #tpu.memory_space<vmem_shared>>) target(%dma_start3A_122 : memref<640x144xf32, #tpu.memory_space<hbm>>) target_semaphore(%run_scoped3A : memref<!tpu.dma_semaphore, #tpu.memory_space<semaphore_mem>>)
      %dma_wait3A = arith.constant 0 : i32
      %dma_wait3A_125 = tpu.memref_slice %arg5[%arg0, %mul3A_120, %dma_wait3A] : memref<2x10240x144xf32, #tpu.memory_space<hbm>> -> memref<1x640x144xf32, #tpu.memory_space<hbm>>
      %dma_wait3A_126 = tpu.memref_squeeze %dma_wait3A_125 : memref<1x640x144xf32, #tpu.memory_space<hbm>> -> memref<640x144xf32, #tpu.memory_space<hbm>>
      %dma_wait3A_127 = arith.constant 0 : i32
      %dma_wait3A_128 = tpu.memref_slice %arg10[%mul3A_118, %dma_wait3A_127] : memref<10240x144xf32, #tpu.memory_space<vmem_shared>> -> memref<640x144xf32, #tpu.memory_space<vmem_shared>>
      tpu.wait_dma2 semaphore(%run_scoped3A : memref<!tpu.dma_semaphore, #tpu.memory_space<semaphore_mem>>) src(%dma_wait3A_128 : memref<640x144xf32, #tpu.memory_space<vmem_shared>>) dst(%dma_wait3A_126 : memref<640x144xf32, #tpu.memory_space<hbm>>)
      tpu.yield
    }) : () -> ()
    return
  }
}

module attributes {stable_mosaic.version = 14 : i64} {
  func.func @_mm_body(%arg0: i32, %arg1: memref<1000x256xf32, #tpu.memory_space<vmem>>, %arg2: memref<256x256xf32, #tpu.memory_space<vmem>>, %arg3: memref<2x1000x144xf32, #tpu.memory_space<vmem>>) attributes {dimension_semantics = [#tpu.dimension_semantics<arbitrary>], iteration_bounds = array<i64: 10>, scalar_prefetch = 0 : i64, scratch_operands = 0 : i64, tpu.core_type = #tpu.core_type<tc>, window_params = [{transform_indices = @transform_0, window_bounds = array<i64: 1000, 256>}, {pipeline_mode = #tpu.pipeline_mode<synchronous>, transform_indices = @transform_1, window_bounds = array<i64: 256, 256>}, {transform_indices = @transform_2, window_bounds = array<i64: 2, 1000, 144>}]} {
    %get3A = arith.constant 0 : index
    %get3A_0 = arith.constant 0 : index
    %get3A_1 = vector.load %arg1[%get3A, %get3A_0] : memref<1000x256xf32, #tpu.memory_space<vmem>>, vector<1000x256xf32>
    %get3A_2 = arith.constant 0 : index
    %get3A_3 = arith.constant 0 : index
    %get3A_4 = vector.load %arg2[%get3A_2, %get3A_3] : memref<256x256xf32, #tpu.memory_space<vmem>>, vector<256x256xf32>
    %dot_general3A = arith.constant dense<0.000000e+00> : vector<1000x256xf32>
    %dot_general3A_5 = tpu.matmul %get3A_1, %get3A_4, %dot_general3A {dimension_numbers = #tpu.dot_dimension_numbers<[1], [1], [0], [0], [0, 0, 1, 0], [], []>, transpose_lhs_hint = false} : vector<1000x256xf32>, vector<256x256xf32>, vector<1000x256xf32> -> vector<1000x256xf32>
    %broadcast_in_dim3A = arith.constant 1.000000e+00 : f32
    %broadcast_in_dim3A_6 = vector.broadcast %broadcast_in_dim3A : f32 to vector<1000x1xf32>
    %broadcast_in_dim3A_7 = arith.constant 0.000000e+00 : f32
    %broadcast_in_dim3A_8 = vector.broadcast %broadcast_in_dim3A_7 : f32 to vector<1000x15xf32>
    %concatenate3A = tpu.concatenate %broadcast_in_dim3A_6, %broadcast_in_dim3A_8 in 1 : vector<1000x1xf32>, vector<1000x15xf32> -> vector<1000x16xf32>
    %slice3A = vector.extract_strided_slice %dot_general3A_5 {offsets = [0, 0], sizes = [1000, 128], strides = [1, 1]} : vector<1000x256xf32> to vector<1000x128xf32>
    %concatenate3A_9 = tpu.concatenate %slice3A, %concatenate3A in 1 : vector<1000x128xf32>, vector<1000x16xf32> -> vector<1000x144xf32>
    %swap3A = arith.constant 0 : index
    %swap3A_10 = arith.constant 0 : index
    %swap3A_11 = arith.constant 0 : index
    %swap3A_12 = vector.load %arg3[%swap3A, %swap3A_10, %swap3A_11] : memref<2x1000x144xf32, #tpu.memory_space<vmem>>, vector<1x1000x144xf32>
    %swap3A_13 = vector.shape_cast %swap3A_12 : vector<1x1000x144xf32> to vector<1000x144xf32>
    %swap3A_14 = vector.shape_cast %concatenate3A_9 : vector<1000x144xf32> to vector<1x1000x144xf32>
    tpu.vector_store %arg3[%swap3A, %swap3A_10, %swap3A_11], %swap3A_14 {strides = array<i32>} : memref<2x1000x144xf32, #tpu.memory_space<vmem>>, vector<1x1000x144xf32>,
    %slice3A_15 = vector.extract_strided_slice %dot_general3A_5 {offsets = [0, 128], sizes = [1000, 128], strides = [1, 1]} : vector<1000x256xf32> to vector<1000x128xf32>
    %concatenate3A_16 = tpu.concatenate %slice3A_15, %concatenate3A in 1 : vector<1000x128xf32>, vector<1000x16xf32> -> vector<1000x144xf32>
    %swap3A_17 = arith.constant 1 : index
    %swap3A_18 = arith.constant 0 : index
    %swap3A_19 = arith.constant 0 : index
    %swap3A_20 = vector.load %arg3[%swap3A_17, %swap3A_18, %swap3A_19] : memref<2x1000x144xf32, #tpu.memory_space<vmem>>, vector<1x1000x144xf32>
    %swap3A_21 = vector.shape_cast %swap3A_20 : vector<1x1000x144xf32> to vector<1000x144xf32>
    %swap3A_22 = vector.shape_cast %concatenate3A_16 : vector<1000x144xf32> to vector<1x1000x144xf32>
    tpu.vector_store %arg3[%swap3A_17, %swap3A_18, %swap3A_19], %swap3A_22 {strides = array<i32>} : memref<2x1000x144xf32, #tpu.memory_space<vmem>>, vector<1x1000x144xf32>,
    return
  }
  func.func @transform_0(%arg0: i32) -> (i32, i32) {
    %c0_i32 = arith.constant 0 : i32
    %c0_i32_0 = arith.constant 0 : i32
    return %arg0, %c0_i32 : i32, i32
  }
  func.func @transform_1(%arg0: i32) -> (i32, i32) {
    %c0_i32 = arith.constant 0 : i32
    %c0_i32_0 = arith.constant 0 : i32
    %c0_i32_1 = arith.constant 0 : i32
    return %c0_i32, %c0_i32_0 : i32, i32
  }
  func.func @transform_2(%arg0: i32) -> (i32, i32, i32) {
    %c0_i32 = arith.constant 0 : i32
    %c0_i32_0 = arith.constant 0 : i32
    %c0_i32_1 = arith.constant 0 : i32
    return %c0_i32, %arg0, %c0_i32_0 : i32, i32, i32
  }
}

module attributes {stable_mosaic.version = 14 : i64} {
  func.func @_finish_body(%arg0: i32, %arg1: memref<2x1000x144xf32, #tpu.memory_space<vmem>>, %arg2: memref<1000x256xf32, #tpu.memory_space<vmem>>, %arg3: memref<256x256xf32, #tpu.memory_space<vmem>>, %arg4: memref<1000x256xf32, #tpu.memory_space<vmem>>) attributes {dimension_semantics = [#tpu.dimension_semantics<arbitrary>], iteration_bounds = array<i64: 10>, scalar_prefetch = 0 : i64, scratch_operands = 0 : i64, tpu.core_type = #tpu.core_type<tc>, window_params = [{transform_indices = @transform_0, window_bounds = array<i64: 2, 1000, 144>}, {transform_indices = @transform_1, window_bounds = array<i64: 1000, 256>}, {pipeline_mode = #tpu.pipeline_mode<synchronous>, transform_indices = @transform_2, window_bounds = array<i64: 256, 256>}, {transform_indices = @transform_3, window_bounds = array<i64: 1000, 256>}]} {
    %get3A = arith.constant 0 : index
    %get3A_0 = arith.constant 0 : index
    %get3A_1 = arith.constant 0 : index
    %get3A_2 = vector.load %arg1[%get3A, %get3A_0, %get3A_1] : memref<2x1000x144xf32, #tpu.memory_space<vmem>>, vector<1x1000x144xf32>
    %get3A_3 = vector.shape_cast %get3A_2 : vector<1x1000x144xf32> to vector<1000x144xf32>
    %get3A_4 = arith.constant 1 : index
    %get3A_5 = arith.constant 0 : index
    %get3A_6 = arith.constant 0 : index
    %get3A_7 = vector.load %arg1[%get3A_4, %get3A_5, %get3A_6] : memref<2x1000x144xf32, #tpu.memory_space<vmem>>, vector<1x1000x144xf32>
    %get3A_8 = vector.shape_cast %get3A_7 : vector<1x1000x144xf32> to vector<1000x144xf32>
    %slice3A = vector.extract_strided_slice %get3A_3 {offsets = [0, 128], sizes = [1000, 1], strides = [1, 1]} : vector<1000x144xf32> to vector<1000x1xf32>
    %max3A = arith.constant 1.000000e+00 : f32
    %max3A_9 = vector.broadcast %max3A : f32 to vector<1000x1xf32>
    %max3A_10 = arith.maximumf %slice3A, %max3A_9 : vector<1000x1xf32>
    %slice3A_11 = vector.extract_strided_slice %get3A_8 {offsets = [0, 128], sizes = [1000, 1], strides = [1, 1]} : vector<1000x144xf32> to vector<1000x1xf32>
    %max3A_12 = arith.constant 1.000000e+00 : f32
    %max3A_13 = vector.broadcast %max3A_12 : f32 to vector<1000x1xf32>
    %max3A_14 = arith.maximumf %slice3A_11, %max3A_13 : vector<1000x1xf32>
    %slice3A_15 = vector.extract_strided_slice %get3A_3 {offsets = [0, 0], sizes = [1000, 128], strides = [1, 1]} : vector<1000x144xf32> to vector<1000x128xf32>
    %div3A = vector.broadcast %max3A_10 : vector<1000x1xf32> to vector<1000x128xf32>
    %div3A_16 = arith.divf %slice3A_15, %div3A : vector<1000x128xf32>
    %slice3A_17 = vector.extract_strided_slice %get3A_8 {offsets = [0, 0], sizes = [1000, 128], strides = [1, 1]} : vector<1000x144xf32> to vector<1000x128xf32>
    %div3A_18 = vector.broadcast %max3A_14 : vector<1000x1xf32> to vector<1000x128xf32>
    %div3A_19 = arith.divf %slice3A_17, %div3A_18 : vector<1000x128xf32>
    %concatenate3A = tpu.concatenate %div3A_16, %div3A_19 in 1 : vector<1000x128xf32>, vector<1000x128xf32> -> vector<1000x256xf32>
    %get3A_20 = arith.constant 0 : index
    %get3A_21 = arith.constant 0 : index
    %get3A_22 = vector.load %arg2[%get3A_20, %get3A_21] : memref<1000x256xf32, #tpu.memory_space<vmem>>, vector<1000x256xf32>
    %get3A_23 = arith.constant 0 : index
    %get3A_24 = arith.constant 0 : index
    %get3A_25 = vector.load %arg3[%get3A_23, %get3A_24] : memref<256x256xf32, #tpu.memory_space<vmem>>, vector<256x256xf32>
    %dot_general3A = arith.constant dense<0.000000e+00> : vector<1000x256xf32>
    %dot_general3A_26 = tpu.matmul %get3A_22, %get3A_25, %dot_general3A {dimension_numbers = #tpu.dot_dimension_numbers<[1], [1], [0], [0], [0, 0, 1, 0], [], []>, transpose_lhs_hint = false} : vector<1000x256xf32>, vector<256x256xf32>, vector<1000x256xf32> -> vector<1000x256xf32>
    %add3A = arith.addf %concatenate3A, %dot_general3A_26 : vector<1000x256xf32>
    %swap3A = arith.constant 0 : index
    %swap3A_27 = arith.constant 0 : index
    %swap3A_28 = vector.load %arg4[%swap3A, %swap3A_27] : memref<1000x256xf32, #tpu.memory_space<vmem>>, vector<1000x256xf32>
    tpu.vector_store %arg4[%swap3A, %swap3A_27], %add3A {strides = array<i32>} : memref<1000x256xf32, #tpu.memory_space<vmem>>, vector<1000x256xf32>,
    return
  }
  func.func @transform_0(%arg0: i32) -> (i32, i32, i32) {
    %c0_i32 = arith.constant 0 : i32
    %c0_i32_0 = arith.constant 0 : i32
    %c0_i32_1 = arith.constant 0 : i32
    return %c0_i32, %arg0, %c0_i32_0 : i32, i32, i32
  }
  func.func @transform_1(%arg0: i32) -> (i32, i32) {
    %c0_i32 = arith.constant 0 : i32
    %c0_i32_0 = arith.constant 0 : i32
    return %arg0, %c0_i32 : i32, i32
  }
  func.func @transform_2(%arg0: i32) -> (i32, i32) {
    %c0_i32 = arith.constant 0 : i32
    %c0_i32_0 = arith.constant 0 : i32
    %c0_i32_1 = arith.constant 0 : i32
    return %c0_i32, %c0_i32_0 : i32, i32
  }
  func.func @transform_3(%arg0: i32) -> (i32, i32) {
    %c0_i32 = arith.constant 0 : i32
    %c0_i32_0 = arith.constant 0 : i32
    return %arg0, %c0_i32 : i32, i32
  }
}

</mosaic_0001>

<sc_bundles>
// kernel: kernel.5.cloned.1.call-start
scs
__scs_entry_jumppad:
0x0: {  	(pc) =	sbr.rel $0x88, $3  }
0x1: {  	(tag) =	ssettag $0x0;
	lr =	simm.s32 $0x1  }
0x2: {  	[smem:$0x3F9D] =	sst lr;
	_ =	strace $0xD0000000  }
0x3: {  	_ = 	snop  }
0x4: {  	_ = 	snop  }
0x5: {  	_ = 	snop  }
0x6: {  	_ = 	snop  }
0x7: {  	_ = 	snop  }
__scs_overlays_trampoline_lowered:
0x8: {  	[smem:$0x3FAC] =	sst s0  }
0x9: {  	[smem:$0x3FAD] =	sst s1  }
0xa: {  	[smem:$0x3FAE] =	sst s2  }
0xb: {  	[smem:$0x3FAF] =	sst s3  }
0xc: {  	[smem:$0x3FB0] =	sst s4  }
0xd: {  	[smem:$0x3FB1] =	sst s5  }
0xe: {  	[smem:$0x3FB2] =	sst s6  }
0xf: {  	[smem:$0x3FB3] =	sst s7  }
0x10: {  	[smem:$0x3FB4] =	sst s8  }
0x11: {  	[smem:$0x3FB5] =	sst s9;
	s0 =	simm.s32 @!p0 $0x0  }
0x12: {  	s1 =	sld [smem:$0x3F9B];
	s0 =	simm.s32 @p0 $0x1  }
0x13: {  	[smem:$0x3FB6] =	sst s0;
	s0 =	simm.s32 @!p1 $0x0  }
0x14: {  	s2 =	sld [smem:$0x3F9A];
	s0 =	simm.s32 @p1 $0x1  }
0x15: {  	[smem:$0x3FB7] =	sst s0;
	s0 =	simm.s32 @!p2 $0x0  }
0x16: {  	s3 =	sld [smem:$0x3FDB];
	s0 =	simm.s32 @p2 $0x1  }
0x17: {  	s4 =	simm.s32 $0x1BF5;
	[smem:$0x3FB9] =	sst s0  }
0x18: {  	s0 =	sld [smem:$0x3F9C];
	_ =	swait.ge [sflag:s4], $0x0  }
0x19: {  	s7 =	sld [smem:$0x3F9D]  }
0x1a: {  	s8 =	sadd.s32 $0xFFFFE003, lr  }
0x1b: {  	s9 =	sadd.s32 $0xFFFFFEF7, lr;
	s5 =	simm.s32 $0xFFFFFFFF;
	p2 =	slt.u32 s8, $0xFFFFF086  }
0x1c: {  	p1 =	slt.u32 s9, $0xF7A;
	s5 =	simm.s32 @!p2 $0x0  }
0x1d: {  	s5 =	simm.s32 @p1 $0x1;
	p0 =	seq.s32 s7, s2  }
0x1e: {  	s7 =	smul.u32 @!p0 $0xF7A, s2;
	p2 =	seq.s32 @!p0 s5, $0x0  }
0x1f: {  	s9 =	smul.u32 $0xF7A, s1;
	s8 =	simm.s32 @!p0 $0x1BF5;
	p2 =	por !p2, p0  }
0x20: {  	[sflag:s8] =	ssyncset.s32 @!p0 $0xFFFFF086;
	s6 =	sadd.s32 @!p0 s3, s7;
	s7 =	simm.s32 @!p0 $0x108  }
0x21: {  	s3 =	sadd.s32 s3, s9;
	s6 =	sadd.s32 @!p0 $0x88, s6;
	s7 =	simm.s32 @p2 $0x1082  }
0x22: {  	[simem:s7], [sflag:s8] =	dma.local @!p0 [hbm:s6], $0xF7A  }
0x23: {  	s9 =	sor.u32 $0xD0000000, s2;
	s6 =	simm.s32 $0x108;
	_ =	swait.ge @!p0 [sflag:s8], $0x0  }
0x24: {  	s3 =	sadd.s32 $0x88, s3;
	s6 =	simm.s32 @!p1 $0x1082;
	[sflag:s4] =	ssyncset.s32 $0xFFFFF086  }
0x25: {  	[simem:s6], [sflag:s4] =	dma.local [hbm:s3], $0xF7A  }
0x26: {  	[smem:$0x3F9D] =	sst s1;
	(tag) =	ssettag s2;
	_ =	strace s9  }
0x27: {  	s1 =	sld [smem:$0x3FAD]  }
0x28: {  	s2 =	sld [smem:$0x3FAE]  }
0x29: {  	s4 =	sld [smem:$0x3FB0]  }
0x2a: {  	p0 =	seq.s32 s5, $0x0;
	s5 =	sld [smem:$0x3FB1]  }
0x2b: {  	s6 =	sld [smem:$0x3FB2]  }
0x2c: {  	s7 =	sld [smem:$0x3FB3]  }
0x2d: {  	s3 =	simm.s32 $0x108;
	s8 =	sld [smem:$0x3FB4]  }
0x2e: {  	s3 =	simm.s32 @!p0 $0x1082;
	s9 =	sld [smem:$0x3FB5]  }
0x2f: {  	lr =	sadd.s32 s0, s3;
	s0 =	sld [smem:$0x3FAC]  }
0x30: {  	s3 =	sld [smem:$0x3FAF]  }
0x31: {  	[smem:$0x3FB8] =	sst s10  }
0x32: {  	s10 =	sld [smem:$0x3FB6];
	_ =	sdelay $0x3  }
0x33: {  	p0 =	seq.s32 s10, $0x1;
	s10 =	sld [smem:$0x3FB8];
	_ =	sdelay $0x3  }
0x34: {  	[smem:$0x3FB8] =	sst s10  }
0x35: {  	s10 =	sld [smem:$0x3FB7];
	_ =	sdelay $0x3  }
0x36: {  	p1 =	seq.s32 s10, $0x1;
	s10 =	sld [smem:$0x3FB8];
	_ =	sdelay $0x3  }
0x37: {  	[smem:$0x3FB8] =	sst s10  }
0x38: {  	s10 =	sld [smem:$0x3FB9]  }
0x39: {  	_ = 	snop;
	(pc) =	sbr.ind lr, $3  }
0x3a: {  	_ = 	snop  }
0x3b: {  	_ = 	snop  }
0x3c: {  	p2 =	seq.s32 s10, $0x1;
	s10 =	sld [smem:$0x3FB8]  }
0x3d: {  	_ =	shalt  }
0x3e: {  	_ =	shalt  }
0x3f: {  	_ =	shalt  }
0x40: {  	_ =	shalt  }
0x41: {  	_ =	shalt  }
0x42: {  	_ =	shalt  }
0x43: {  	_ =	shalt  }
0x44: {  	_ =	shalt  }
0x45: {  	_ =	shalt  }
0x46: {  	_ =	shalt  }
0x47: {  	_ =	shalt  }
0x48: {  	_ =	shalt  }
0x49: {  	_ =	shalt  }
0x4a: {  	_ =	shalt  }
0x4b: {  	_ =	shalt  }
0x4c: {  	_ =	shalt  }
0x4d: {  	_ =	shalt  }
0x4e: {  	_ =	shalt  }
0x4f: {  	_ =	shalt  }
0x50: {  	_ =	shalt  }
0x51: {  	_ =	shalt  }
0x52: {  	_ =	shalt  }
0x53: {  	_ =	shalt  }
0x54: {  	_ =	shalt  }
0x55: {  	_ =	shalt  }
0x56: {  	_ =	shalt  }
0x57: {  	_ =	shalt  }
0x58: {  	_ =	shalt  }
0x59: {  	_ =	shalt  }
0x5a: {  	_ =	shalt  }
0x5b: {  	_ =	shalt  }
0x5c: {  	_ =	shalt  }
0x5d: {  	_ =	shalt  }
0x5e: {  	_ =	shalt  }
0x5f: {  	_ =	shalt  }
0x60: {  	_ =	shalt  }
0x61: {  	_ =	shalt  }
0x62: {  	_ =	shalt  }
0x63: {  	_ =	shalt  }
0x64: {  	_ =	shalt  }
0x65: {  	_ =	shalt  }
0x66: {  	_ =	shalt  }
0x67: {  	_ =	shalt  }
0x68: {  	_ =	shalt  }
0x69: {  	_ =	shalt  }
0x6a: {  	_ =	shalt  }
0x6b: {  	_ =	shalt  }
0x6c: {  	_ =	shalt  }
0x6d: {  	_ =	shalt  }
0x6e: {  	_ =	shalt  }
0x6f: {  	_ =	shalt  }
0x70: {  	_ =	shalt  }
0x71: {  	_ =	shalt  }
0x72: {  	_ =	shalt  }
0x73: {  	_ =	shalt  }
0x74: {  	_ =	shalt  }
0x75: {  	_ =	shalt  }
0x76: {  	_ =	shalt  }
0x77: {  	_ =	shalt  }
0x78: {  	_ =	shalt  }
0x79: {  	_ =	shalt  }
0x7a: {  	_ =	shalt  }
0x7b: {  	_ =	shalt  }
0x7c: {  	_ =	shalt  }
0x7d: {  	_ =	shalt  }
0x7e: {  	_ =	shalt  }
0x7f: {  	_ =	shalt  }
0x80: {  	_ =	shalt  }
0x81: {  	_ =	shalt  }
0x82: {  	_ =	shalt  }
0x83: {  	_ =	shalt  }
0x84: {  	_ =	shalt  }
0x85: {  	_ =	shalt  }
0x86: {  	_ =	shalt  }
0x87: {  	_ =	shalt  }
.Lfunc_end0:
.L_simem_size_0:
called_computation_lowered:
.L_overlay_start_0:
0x88: {  	s2 =	sld [smem:$0x3FD9]  }
0x89: {  	s3 =	sld [smem:$0x3FFE];
	_ =	sdelay $0x1  }
0x8a: {  	s1 =	srdreg.scid  }
0x8b: {  	s0 =	sand.u32 $0x1, s1  }
0x8c: {  	s17 =	sshll.u32 s0, $0xA;
	s2 =	sadd.s32 s3, s2  }
0x8d: {  	s2 =	sadd.s32 s2, s17  }
0x8e: {  	[smem:$0x3FC4] =	sst s2  }
0x8f: {  	_ = 	snop  }
0x90: {  	s2 =	sld [smem:$0x3FD0];
	(tm) =	ssettm $0x1  }
0x91: {  	s18 =	sld [smem:$0x3FFB];
	_ =	sdelay $0x3  }
0x92: {  	_ =	strace s18  }
0x93: {  	s3 =	sld [smem:$0x3FFC];
	_ =	sdelay $0x3  }
0x94: {  	_ =	strace s3  }
0x95: {  	s3 =	sld [smem:$0x3FFD];
	_ =	sdelay $0x3  }
0x96: {  	_ =	strace s3  }
0x97: {  	_ =	strace $0x8FFFFFFF  }
0x98: {  	s19 =	sld [smem:$0x3FDB];
	_ =	sdelay $0x1  }
0x99: {  	s4 =	simm.s32 $_scs_section_size  }
0x9a: {  	s5 =	simm.s32 $_size__tile_overlayer_lowered;
	s6 =	simm.s32 $_tile_overlayer_lowered  }
0x9b: {  	s22 =	simm.s32 $0x1BFF;
	s21 =	sshll.u32 s6, $0x1;
	s3 =	sadd.s32 s4, s19  }
0x9c: {  	s7 =	simm.s32 $0x0;
	s20 =	sshll.u32 s5, $0x1;
	s5 =	sadd.s32 s21, s3  }
0x9d: {  	[timem:s7], [sflag:s22] =	dma.local [hbm:s5], s20  }
0x9e: {  	_ =	swait.ge [sflag:s22], s20  }
0x9f: {  	s4 =	ssub.s32 $0x0, s20;
	[sflag:s22] =	ssyncset.done $0x0  }
0xa0: {  	[sflag:s22] =	ssyncadd.s32 s4;
	_ =	sdelay $0x1  }
0xa1: {  	s23 =	simm.s32 $0x1B8B  }
0xa2: {  	_ =	swait.ge [sflag:s23], $0x1  }
0xa3: {  	[sflag:s23] =	ssyncset.done $0x0  }
0xa4: {  	s25 =	simm.s32 $0x1B8E;
	s24 =	sld [smem:$0x3FFE];
	[sflag:s23] =	ssyncadd.s32 $0xFFFFFFFF  }
0xa5: {  	s26 =	simm.s32 $execute0_lowered;
	[smem:$0x3FD2] =	sst s25  }
0xa6: {  	s5 =	sshll.u32 s26, $0x1;
	_ =	strace $0x80000046;
	[dreg:$0x1] =	wrdreg $0xFFFFFFFF  }
0xa7: {  	s28 =	simm.s32 $_size_execute0_lowered;
	s3 =	sadd.s32 s3, s5;
	[dreg:$0x0] =	wrdreg $0x0  }
0xa8: {  	s5 =	sshll.u32 s28, $0x1;
	[dreg:$0x2] =	wrdreg s3  }
0xa9: {  	[dreg:$0x3] =	wrdreg s5  }
0xaa: {  	[dreg:$0x4] =	wrdreg $0xC0  }
0xab: {  	_ =	task [dreg:s7], $0x5FFFF  }
0xac: {  	[dreg:$0x1] =	wrdreg $0xFFFFFFFF  }
0xad: {  	[dreg:$0x0] =	wrdreg $0x60  }
0xae: {  	[dreg:$0x2] =	wrdreg s24  }
0xaf: {  	[dreg:$0x3] =	wrdreg s2  }
0xb0: {  	[dreg:$0x4] =	wrdreg $0x60A00  }
0xb1: {  	[dreg:$0x5] =	wrdreg $0x9  }
0xb2: {  	_ =	task.clear_ibuf [dreg:s7], $0x6FFFF;
	_ =	strace $0x90000046  }
0xb3: {  	s29 =	simm.s32 $0x9;
	_ =	strace $0x80000048  }
0xb4: {  	_ =	swait.ge [sflag:s29], $0x1  }
0xb5: {  	[sflag:s29] =	ssyncadd.s32 $0xFFFFFFFF  }
0xb6: {  	_ =	strace $0x90000048  }
0xb7: {  	_ =	sfence  }
0xb8: {  	s30 =	sld [smem:$0x0];
	_ =	sdelay $0x2  }
0xb9: {  	s31 =	sshll.u32 s1, $0xD;
	s1 =	sshrl.u32 s1, $0x2  }
0xba: {  	s3 =	sand.u32 $0x4000, s31;
	s1 =	sadd.s32 s1, s30  }
0xbb: {  	s0 =	sor.u32 s3, s0;
	s1 =	sshll.u32 s1, $0x11  }
0xbc: {  	s0 =	sor.u32 s1, s0  }
0xbd: {  	s0 =	sadd.s32 $0x8F2B, s0  }
0xbe: {  	[sflag:s0] =	ssyncadd.remote.s32 $0x1  }
0xbf: {  	_ =	sfence.sel $0xFFFF  }
0xc0: {  	[dreg:$0x0] =	wrdreg $0xFFFFFFFF;
	(pc) =	sbr.abs _section_cstart, $3  }
0xc1: {  	[dreg:$0x1] =	wrdreg $0xFFFFFFFF  }
0xc2: {  	_ =	task.clear_ibuf [dreg:s7], $0x2FFFF;
	_ =	strace $0x9FFFFFFF  }
0xc3: {  	(tm) =	ssettm $0x7FFFFFFF  }
tec
execute0_lowered:
.L_overlay_start_1:
0x0: {  	(tag) =	ssettag $0x1  }
0x1: {  	s0 =	rddreg [dreg:$0x0]  }
0x2: {  	s1 =	rddreg [dreg:$0x1]  }
0x3: {  	s2 =	rddreg [dreg:$0x2];
	s4 =	srdreg.scid  }
0x4: {  	s11 =	stileid.u32;
	s3 =	simm.s32 $0x0;
	s28 =	simm.s32 $0x3CA0  }
0x5: {  	s29 =	simm.s32 $0x2;
	s30 =	simm.s32 $0x7D0;
	s5 =	smul.u32 $0x16800, s11  }
0x6: {  	s31 =	simm.s32 $0x50;
	s6 =	sand.u32 $0x1, s4;
	s9 =	smul.u32 $0x5A000, s11  }
0x7: {  	[smem:$0x7FF] =	sst s3;
	s4 =	sadd.s32 $0x9C800, s0;
	s11 =	smul.u32 $0x2710, s11  }
0x8: {  	s19 =	sadd.s32 $0x400, s0;
	s7 =	smul.u32 $0x168000, s6;
	s8 =	ssub.s32 $0x2, s6  }
0x9: {  	_ =	strace $0x80000047;
	s10 =	sshrl.u32 s8, $0x1;
	s22 =	sshrl.u32 s9, $0x2  }
0xa: {  	s20 =	sshrl.u32 s11, $0x3;
	s9 =	smul.u32 $0x2710, s6;
	s7 =	sadd.s32 s5, s7  }
0xb: {  	s5 =	sadd.s32 s5, s2;
	s24 =	sadd.s32 s22, s2;
	s11 =	sadd.s32 s19, s20  }
0xc: {  	s12 =	sadd.s32 s1, s20;
	s14 =	sadd.s32 $0xFA, s20;
	s16 =	sadd.s32 $0x1F4, s20  }
0xd: {  	s18 =	sadd.s32 $0x2EE, s20;
	s20 =	sadd.s32 $0x3E8, s20;
	s7 =	sshrl.u32 s7, $0x3  }
0xe: {  	s23 =	sadd.s32 $0x4800, s24;
	s25 =	sadd.s32 $0x6C00, s24;
	s26 =	sadd.s32 $0x9000, s24  }
0xf: {  	s13 =	sadd.s32 s19, s14;
	s14 =	sadd.s32 s1, s14;
	s15 =	sadd.s32 s19, s16  }
0x10: {  	s16 =	sadd.s32 s1, s16;
	s17 =	sadd.s32 s19, s18;
	s18 =	sadd.s32 s1, s18  }
0x11: {  	s19 =	sadd.s32 s19, s20;
	s20 =	sadd.s32 s1, s20;
	s21 =	sadd.s32 $0xD800, s24  }
0x12: {  	s22 =	sadd.s32 $0xFC00, s24;
	s1 =	simm.s32 $0x1;
	[dreg:$0x5] =	wrdreg s23  }
0x13: {  	s0 =	sadd.s32 s7, s0;
	s7 =	ssub.s32 s8, s10;
	[dreg:$0x6] =	wrdreg s25  }
0x14: {  	s8 =	sadd.s32 $0x2400, s24;
	[dreg:$0x7] =	wrdreg s26;
	s10 =	sadd.s32 $0xB400, s24  }
0x15: {  	s23 =	sadd.s32 $0x12000, s24;
	s24 =	sadd.s32 $0x14400, s24;
	[dreg:$0x4] =	wrdreg s8  }
0x16: {  	v1 =	vimm.f32 $0.0e+00;
	v0 =	vmov s9;
	s25 =	sadd.s32 $0x5400, s0;
	s26 =	smax.u32 s7, $0x1;
	s0 =	simm.s32 $0xFA0  }
.LBB2_1:
0x17: {  	s6 =	simm.s32 $0x0;
	s7 =	simm.s32 $0x240  }
.LBB2_2:
0x18: {  	p0 =	sne.s32 s7, $0x8DC0;
	[tilespmem:s6+$0x3D20] =	vst v1  }
0x19: {  	[tilespmem:s6+$0x3CA0] =	vst v1  }
0x1a: {  	[tilespmem:s6+$0x3CB0] =	vst v1  }
0x1b: {  	[tilespmem:s6+$0x3CC0] =	vst v1  }
.Ltmp0:
0x1c: {  	[tilespmem:s6+$0x3CD0] =	vst v1;
	(pc) =	sbr.rel @p0 .LBB2_2-.Ltmp0, $4  }
0x1d: {  	[tilespmem:s6+$0x3CE0] =	vst v1  }
0x1e: {  	[tilespmem:s6+$0x3CF0] =	vst v1  }
0x1f: {  	[tilespmem:s6+$0x3D00] =	vst v1  }
0x20: {  	[tilespmem:s6+$0x3D10] =	vst v1;
	s6 =	sshra.s32 s7, $0x2;
	s7 =	sadd.s32 $0x240, s7  }
0x21: {  	[tilespmem:s6+$0x3D20] =	vst v1  }
0x22: {  	[tilespmem:s6+$0x3CA0] =	vst v1  }
0x23: {  	[tilespmem:s6+$0x3CB0] =	vst v1  }
0x24: {  	[tilespmem:s6+$0x3CC0] =	vst v1  }
0x25: {  	[tilespmem:s6+$0x3CD0] =	vst v1  }
0x26: {  	[tilespmem:s6+$0x3CE0] =	vst v1  }
0x27: {  	[tilespmem:s6+$0x3CF0] =	vst v1  }
0x28: {  	[tilespmem:s6+$0x3D00] =	vst v1  }
0x29: {  	[tilespmem:s6+$0x3D10] =	vst v1  }
0x2a: {  	[spmem:s5] =	stream.linear.scatter [tilespmem:s28], [sflag:$0x2], $0x2400, $0x38;
	[tilespmem:$0x1C8A0] =	vst v63  }
0x2b: {  	_ =	swait.ge [sflag:s29], $0x2400  }
0x2c: {  	[sflag:s29] =	ssyncset.done $0x0  }
0x2d: {  	s8 =	rddreg [dreg:$0x4];
	[sflag:s29] =	ssyncadd.s32 $0xFFFFDC00  }
0x2e: {  	[spmem:s8] =	stream.linear.scatter [tilespmem:s28], [sflag:$0x2], $0x2400, $0x38;
	[tilespmem:$0x1C8A0] =	vst v63  }
0x2f: {  	_ =	swait.ge [sflag:s29], $0x2400  }
0x30: {  	[sflag:s29] =	ssyncset.done $0x0  }
0x31: {  	s9 =	rddreg [dreg:$0x5];
	[sflag:s29] =	ssyncadd.s32 $0xFFFFDC00  }
0x32: {  	[spmem:s9] =	stream.linear.scatter [tilespmem:s28], [sflag:$0x2], $0x2400, $0x38;
	[tilespmem:$0x1C8A0] =	vst v63  }
0x33: {  	_ =	swait.ge [sflag:s29], $0x2400  }
0x34: {  	[sflag:s29] =	ssyncset.done $0x0  }
0x35: {  	s7 =	rddreg [dreg:$0x6];
	[sflag:s29] =	ssyncadd.s32 $0xFFFFDC00  }
0x36: {  	[spmem:s7] =	stream.linear.scatter [tilespmem:s28], [sflag:$0x2], $0x2400, $0x38;
	[tilespmem:$0x1C8A0] =	vst v63  }
0x37: {  	_ =	swait.ge [sflag:s29], $0x2400  }
0x38: {  	[sflag:s29] =	ssyncset.done $0x0  }
0x39: {  	s8 =	rddreg [dreg:$0x7];
	[sflag:s29] =	ssyncadd.s32 $0xFFFFDC00  }
0x3a: {  	[spmem:s8] =	stream.linear.scatter [tilespmem:s28], [sflag:$0x2], $0x2400, $0x38;
	[tilespmem:$0x1C8A0] =	vst v63  }
0x3b: {  	_ =	swait.ge [sflag:s29], $0x2400  }
0x3c: {  	[sflag:s29] =	ssyncset.done $0x0  }
0x3d: {  	[sflag:s29] =	ssyncadd.s32 $0xFFFFDC00  }
0x3e: {  	[spmem:s10] =	stream.linear.scatter [tilespmem:s28], [sflag:$0x2], $0x2400, $0x38;
	[tilespmem:$0x1C8A0] =	vst v63  }
0x3f: {  	_ =	swait.ge [sflag:s29], $0x2400  }
0x40: {  	[sflag:s29] =	ssyncset.done $0x0  }
0x41: {  	[sflag:s29] =	ssyncadd.s32 $0xFFFFDC00  }
0x42: {  	[spmem:s21] =	stream.linear.scatter [tilespmem:s28], [sflag:$0x2], $0x2400, $0x38;
	[tilespmem:$0x1C8A0] =	vst v63  }
0x43: {  	_ =	swait.ge [sflag:s29], $0x2400  }
0x44: {  	[sflag:s29] =	ssyncset.done $0x0  }
0x45: {  	[sflag:s29] =	ssyncadd.s32 $0xFFFFDC00  }
0x46: {  	[spmem:s22] =	stream.linear.scatter [tilespmem:s28], [sflag:$0x2], $0x2400, $0x38;
	[tilespmem:$0x1C8A0] =	vst v63  }
0x47: {  	_ =	swait.ge [sflag:s29], $0x2400  }
0x48: {  	[sflag:s29] =	ssyncset.done $0x0  }
0x49: {  	[sflag:s29] =	ssyncadd.s32 $0xFFFFDC00  }
0x4a: {  	[spmem:s23] =	stream.linear.scatter [tilespmem:s28], [sflag:$0x2], $0x2400, $0x38;
	[tilespmem:$0x1C8A0] =	vst v63  }
0x4b: {  	_ =	swait.ge [sflag:s29], $0x2400  }
0x4c: {  	[sflag:s29] =	ssyncset.done $0x0  }
0x4d: {  	[sflag:s29] =	ssyncadd.s32 $0xFFFFDC00  }
0x4e: {  	[spmem:s24] =	stream.linear.scatter [tilespmem:s28], [sflag:$0x2], $0x2400, $0x38;
	[tilespmem:$0x1C8A0] =	vst v63  }
0x4f: {  	_ =	swait.ge [sflag:s29], $0x2400  }
0x50: {  	[sflag:s29] =	ssyncset.done $0x0  }
0x51: {  	[sflag:s29] =	ssyncadd.s32 $0xFFFFDC00  }
0x52: {  	s9 =	simm.s32 $0x0;
	[bflag:$0x0] =	sbarrier.arrive $0xFFFF  }
0x53: {  	[tilespmem:s9], [sflag:$0x2] =	stream.linear.gather [hbm4b:s11+s9], $0x7D0, $0x38;
	[tilespmem:$0x1C8A0] =	vst v63  }
0x54: {  	_ =	swait.ge [sflag:s29], $0x7D0  }
0x55: {  	[sflag:s29] =	ssyncset.done $0x0  }
0x56: {  	[sflag:s29] =	ssyncadd.s32 $0xFFFFF830  }
0x57: {  	[tilespmem:s30], [sflag:$0x2] =	stream.linear.gather [hbm4b:s12+s9], $0x7D0, $0x38;
	[tilespmem:$0x1C8A0] =	vst v63  }
0x58: {  	_ =	swait.ge [sflag:s29], $0x7D0  }
0x59: {  	[sflag:s29] =	ssyncset.done $0x0  }
0x5a: {  	s6 =	simm.s32 $0x0;
	[sflag:s29] =	ssyncadd.s32 $0xFFFFF830  }
0x5b: {  	v5 =	vld [tilespmem:s6+$0x0]  }
0x5c: {  	v4 =	vld [tilespmem:s6+$0x10]  }
0x5d: {  	v3 =	vld [tilespmem:s6+$0x20]  }
0x5e: {  	s7 =	simm.s32 $0x140;
	v2 =	vld [tilespmem:s6+$0x30]  }
.LBB2_4:
0x5f: {  	p0 =	sne.s32 s7, $0x1E00;
	v6 =	vld [tilespmem:s6+$0x40]  }
0x60: {  	v5 =	vadd.s32 v0, v5  }
.Ltmp1:
0x61: {  	s8 =	sshra.s32 s7, $0x2;
	[tilespmem:s6+$0x0] =	vst v5;
	v4 =	vadd.s32 v0, v4;
	(pc) =	sbr.rel @p0 .LBB2_4-.Ltmp1, $4  }
0x62: {  	v5 =	vld [tilespmem:s8+$0x0];
	[tilespmem:s6+$0x10] =	vst v4;
	v3 =	vadd.s32 v0, v3  }
0x63: {  	v4 =	vld [tilespmem:s8+$0x10];
	[tilespmem:s6+$0x20] =	vst v3;
	v2 =	vadd.s32 v0, v2  }
0x64: {  	v3 =	vld [tilespmem:s8+$0x20];
	[tilespmem:s6+$0x30] =	vst v2;
	v6 =	vadd.s32 v0, v6  }
0x65: {  	s7 =	sadd.s32 $0x140, s7;
	v2 =	vld [tilespmem:s8+$0x30];
	[tilespmem:s6+$0x40] =	vst v6;
	s6 =	smov.u32 s8  }
0x66: {  	v6 =	vld [tilespmem:s6+$0x40]  }
0x67: {  	v5 =	vadd.s32 v0, v5  }
0x68: {  	[tilespmem:s6+$0x0] =	vst v5;
	v4 =	vadd.s32 v0, v4  }
0x69: {  	[tilespmem:s6+$0x10] =	vst v4;
	v3 =	vadd.s32 v0, v3  }
0x6a: {  	[tilespmem:s6+$0x20] =	vst v3;
	v2 =	vadd.s32 v0, v2  }
0x6b: {  	[tilespmem:s6+$0x30] =	vst v2;
	v2 =	vadd.s32 v0, v6  }
0x6c: {  	s8 =	simm.s32 $0x0;
	[tilespmem:s6+$0x40] =	vst v2  }
0x6d: {  	[tilespmem:s0], [sflag:$0x1] =	stream.indirect.gather [hbm4b:s4+s31], $0x90, s8, s31, $0xb8;
	[tilespmem:$0x1C8A0] =	vst v63  }
0x6e: {  	_ =	swait.ge [sflag:s1], $0x2D00  }
0x6f: {  	[sflag:s1] =	ssyncset.done $0x0  }
0x70: {  	s9 =	simm.s32 $0x7D0;
	[sflag:s1] =	ssyncadd.s32 $0xFFFFD300  }
0x71: {  	[spmem:s2] =	stream.indirect.scatter.add.f32 [tilespmem:s0], [sflag:$0x2], $0x90, s9, s31, $0xb8;
	[tilespmem:$0x1C8A0] =	vst v63  }
0x72: {  	_ =	swait.ge [sflag:s29], $0x2D00  }
0x73: {  	s7 =	simm.s32 $0x280;
	s6 =	simm.s32 $0x140;
	[sflag:s29] =	ssyncset.done $0x0  }
.LBB2_6:
0x74: {  	s8 =	sshra.s32 s6, $0x2  }
0x75: {  	[sflag:s29] =	ssyncadd.s32 $0xFFFFD300;
	s6 =	smov.u32 s7;
	s9 =	sadd.s32 $0x140, s7  }
0x76: {  	[tilespmem:s0], [sflag:$0x1] =	stream.indirect.gather [hbm4b:s4+s31], $0x90, s8, s31, $0xb8;
	[tilespmem:$0x1C8A0] =	vst v63  }
0x77: {  	p0 =	sne.s32 s7, $0x1E00;
	_ =	swait.ge [sflag:s1], $0x2D00  }
.Ltmp2:
0x78: {  	[sflag:s1] =	ssyncset.done $0x0;
	(pc) =	sbr.rel @p0 .LBB2_6-.Ltmp2, $4  }
0x79: {  	s7 =	sadd.s32 $0x7D0, s8;
	[sflag:s1] =	ssyncadd.s32 $0xFFFFD300  }
0x7a: {  	[spmem:s2] =	stream.indirect.scatter.add.f32 [tilespmem:s0], [sflag:$0x2], $0x90, s7, s31, $0xb8;
	[tilespmem:$0x1C8A0] =	vst v63  }
0x7b: {  	_ =	swait.ge [sflag:s29], $0x2D00  }
0x7c: {  	s7 =	smov.u32 s9;
	[sflag:s29] =	ssyncset.done $0x0  }
0x7d: {  	s6 =	sshra.s32 s6, $0x2;
	[sflag:s29] =	ssyncadd.s32 $0xFFFFD300  }
0x7e: {  	[tilespmem:s0], [sflag:$0x1] =	stream.indirect.gather [hbm4b:s4+s31], $0x90, s6, s31, $0xb8;
	[tilespmem:$0x1C8A0] =	vst v63  }
0x7f: {  	_ =	swait.ge [sflag:s1], $0x2D00  }
0x80: {  	[sflag:s1] =	ssyncset.done $0x0  }
0x81: {  	s6 =	sadd.s32 $0x7D0, s6;
	[sflag:s1] =	ssyncadd.s32 $0xFFFFD300  }
0x82: {  	[spmem:s2] =	stream.indirect.scatter.add.f32 [tilespmem:s0], [sflag:$0x2], $0x90, s6, s31, $0xb8;
	[tilespmem:$0x1C8A0] =	vst v63  }
0x83: {  	_ =	swait.ge [sflag:s29], $0x2D00  }
0x84: {  	[sflag:s29] =	ssyncset.done $0x0  }
0x85: {  	s9 =	simm.s32 $0x0;
	[sflag:s29] =	ssyncadd.s32 $0xFFFFD300  }
0x86: {  	[tilespmem:s9], [sflag:$0x2] =	stream.linear.gather [hbm4b:s13+s9], $0x7D0, $0x38;
	[tilespmem:$0x1C8A0] =	vst v63  }
0x87: {  	_ =	swait.ge [sflag:s29], $0x7D0  }
0x88: {  	[sflag:s29] =	ssyncset.done $0x0  }
0x89: {  	[sflag:s29] =	ssyncadd.s32 $0xFFFFF830  }
0x8a: {  	[tilespmem:s30], [sflag:$0x2] =	stream.linear.gather [hbm4b:s14+s9], $0x7D0, $0x38;
	[tilespmem:$0x1C8A0] =	vst v63  }
0x8b: {  	_ =	swait.ge [sflag:s29], $0x7D0  }
0x8c: {  	[sflag:s29] =	ssyncset.done $0x0  }
0x8d: {  	s6 =	simm.s32 $0x0;
	[sflag:s29] =	ssyncadd.s32 $0xFFFFF830  }
0x8e: {  	v5 =	vld [tilespmem:s6+$0x0]  }
0x8f: {  	v4 =	vld [tilespmem:s6+$0x10]  }
0x90: {  	v3 =	vld [tilespmem:s6+$0x20]  }
0x91: {  	s7 =	simm.s32 $0x140;
	v2 =	vld [tilespmem:s6+$0x30]  }
.LBB2_8:
0x92: {  	p0 =	sne.s32 s7, $0x1E00;
	v6 =	vld [tilespmem:s6+$0x40]  }
0x93: {  	v5 =	vadd.s32 v0, v5  }
.Ltmp3:
0x94: {  	s8 =	sshra.s32 s7, $0x2;
	[tilespmem:s6+$0x0] =	vst v5;
	v4 =	vadd.s32 v0, v4;
	(pc) =	sbr.rel @p0 .LBB2_8-.Ltmp3, $4  }
0x95: {  	v5 =	vld [tilespmem:s8+$0x0];
	[tilespmem:s6+$0x10] =	vst v4;
	v3 =	vadd.s32 v0, v3  }
0x96: {  	v4 =	vld [tilespmem:s8+$0x10];
	[tilespmem:s6+$0x20] =	vst v3;
	v2 =	vadd.s32 v0, v2  }
0x97: {  	v3 =	vld [tilespmem:s8+$0x20];
	[tilespmem:s6+$0x30] =	vst v2;
	v6 =	vadd.s32 v0, v6  }
0x98: {  	s7 =	sadd.s32 $0x140, s7;
	v2 =	vld [tilespmem:s8+$0x30];
	[tilespmem:s6+$0x40] =	vst v6;
	s6 =	smov.u32 s8  }
0x99: {  	v6 =	vld [tilespmem:s6+$0x40]  }
0x9a: {  	v5 =	vadd.s32 v0, v5  }
0x9b: {  	[tilespmem:s6+$0x0] =	vst v5;
	v4 =	vadd.s32 v0, v4  }
0x9c: {  	[tilespmem:s6+$0x10] =	vst v4;
	v3 =	vadd.s32 v0, v3  }
0x9d: {  	[tilespmem:s6+$0x20] =	vst v3;
	v2 =	vadd.s32 v0, v2  }
0x9e: {  	[tilespmem:s6+$0x30] =	vst v2;
	v2 =	vadd.s32 v0, v6  }
0x9f: {  	s8 =	simm.s32 $0x0;
	[tilespmem:s6+$0x40] =	vst v2  }
0xa0: {  	[tilespmem:s0], [sflag:$0x1] =	stream.indirect.gather [hbm4b:s4+s31], $0x90, s8, s31, $0xb8;
	[tilespmem:$0x1C8A0] =	vst v63  }
0xa1: {  	_ =	swait.ge [sflag:s1], $0x2D00  }
0xa2: {  	[sflag:s1] =	ssyncset.done $0x0  }
0xa3: {  	s9 =	simm.s32 $0x7D0;
	[sflag:s1] =	ssyncadd.s32 $0xFFFFD300  }
0xa4: {  	[spmem:s2] =	stream.indirect.scatter.add.f32 [tilespmem:s0], [sflag:$0x2], $0x90, s9, s31, $0xb8;
	[tilespmem:$0x1C8A0] =	vst v63  }
0xa5: {  	_ =	swait.ge [sflag:s29], $0x2D00  }
0xa6: {  	s7 =	simm.s32 $0x280;
	s6 =	simm.s32 $0x140;
	[sflag:s29] =	ssyncset.done $0x0  }
.LBB2_10:
0xa7: {  	s8 =	sshra.s32 s6, $0x2  }
0xa8: {  	[sflag:s29] =	ssyncadd.s32 $0xFFFFD300;
	s6 =	smov.u32 s7;
	s9 =	sadd.s32 $0x140, s7  }
0xa9: {  	[tilespmem:s0], [sflag:$0x1] =	stream.indirect.gather [hbm4b:s4+s31], $0x90, s8, s31, $0xb8;
	[tilespmem:$0x1C8A0] =	vst v63  }
0xaa: {  	p0 =	sne.s32 s7, $0x1E00;
	_ =	swait.ge [sflag:s1], $0x2D00  }
.Ltmp4:
0xab: {  	[sflag:s1] =	ssyncset.done $0x0;
	(pc) =	sbr.rel @p0 .LBB2_10-.Ltmp4, $4  }
0xac: {  	s7 =	sadd.s32 $0x7D0, s8;
	[sflag:s1] =	ssyncadd.s32 $0xFFFFD300  }
0xad: {  	[spmem:s2] =	stream.indirect.scatter.add.f32 [tilespmem:s0], [sflag:$0x2], $0x90, s7, s31, $0xb8;
	[tilespmem:$0x1C8A0] =	vst v63  }
0xae: {  	_ =	swait.ge [sflag:s29], $0x2D00  }
0xaf: {  	s7 =	smov.u32 s9;
	[sflag:s29] =	ssyncset.done $0x0  }
0xb0: {  	s6 =	sshra.s32 s6, $0x2;
	[sflag:s29] =	ssyncadd.s32 $0xFFFFD300  }
0xb1: {  	[tilespmem:s0], [sflag:$0x1] =	stream.indirect.gather [hbm4b:s4+s31], $0x90, s6, s31, $0xb8;
	[tilespmem:$0x1C8A0] =	vst v63  }
0xb2: {  	_ =	swait.ge [sflag:s1], $0x2D00  }
0xb3: {  	[sflag:s1] =	ssyncset.done $0x0  }
0xb4: {  	s6 =	sadd.s32 $0x7D0, s6;
	[sflag:s1] =	ssyncadd.s32 $0xFFFFD300  }
0xb5: {  	[spmem:s2] =	stream.indirect.scatter.add.f32 [tilespmem:s0], [sflag:$0x2], $0x90, s6, s31, $0xb8;
	[tilespmem:$0x1C8A0] =	vst v63  }
0xb6: {  	_ =	swait.ge [sflag:s29], $0x2D00  }
0xb7: {  	[sflag:s29] =	ssyncset.done $0x0  }
0xb8: {  	s9 =	simm.s32 $0x0;
	[sflag:s29] =	ssyncadd.s32 $0xFFFFD300  }
0xb9: {  	[tilespmem:s9], [sflag:$0x2] =	stream.linear.gather [hbm4b:s15+s9], $0x7D0, $0x38;
	[tilespmem:$0x1C8A0] =	vst v63  }
0xba: {  	_ =	swait.ge [sflag:s29], $0x7D0  }
0xbb: {  	[sflag:s29] =	ssyncset.done $0x0  }
0xbc: {  	[sflag:s29] =	ssyncadd.s32 $0xFFFFF830  }
0xbd: {  	[tilespmem:s30], [sflag:$0x2] =	stream.linear.gather [hbm4b:s16+s9], $0x7D0, $0x38;
	[tilespmem:$0x1C8A0] =	vst v63  }
0xbe: {  	_ =	swait.ge [sflag:s29], $0x7D0  }
0xbf: {  	[sflag:s29] =	ssyncset.done $0x0  }
0xc0: {  	s6 =	simm.s32 $0x0;
	[sflag:s29] =	ssyncadd.s32 $0xFFFFF830  }
0xc1: {  	v5 =	vld [tilespmem:s6+$0x0]  }
0xc2: {  	v4 =	vld [tilespmem:s6+$0x10]  }
0xc3: {  	v3 =	vld [tilespmem:s6+$0x20]  }
0xc4: {  	s7 =	simm.s32 $0x140;
	v2 =	vld [tilespmem:s6+$0x30]  }
.LBB2_12:
0xc5: {  	p0 =	sne.s32 s7, $0x1E00;
	v6 =	vld [tilespmem:s6+$0x40]  }
0xc6: {  	v5 =	vadd.s32 v0, v5  }
.Ltmp5:
0xc7: {  	s8 =	sshra.s32 s7, $0x2;
	[tilespmem:s6+$0x0] =	vst v5;
	v4 =	vadd.s32 v0, v4;
	(pc) =	sbr.rel @p0 .LBB2_12-.Ltmp5, $4  }
0xc8: {  	v5 =	vld [tilespmem:s8+$0x0];
	[tilespmem:s6+$0x10] =	vst v4;
	v3 =	vadd.s32 v0, v3  }
0xc9: {  	v4 =	vld [tilespmem:s8+$0x10];
	[tilespmem:s6+$0x20] =	vst v3;
	v2 =	vadd.s32 v0, v2  }
0xca: {  	v3 =	vld [tilespmem:s8+$0x20];
	[tilespmem:s6+$0x30] =	vst v2;
	v6 =	vadd.s32 v0, v6  }
0xcb: {  	s7 =	sadd.s32 $0x140, s7;
	v2 =	vld [tilespmem:s8+$0x30];
	[tilespmem:s6+$0x40] =	vst v6;
	s6 =	smov.u32 s8  }
0xcc: {  	v6 =	vld [tilespmem:s6+$0x40]  }
0xcd: {  	v5 =	vadd.s32 v0, v5  }
0xce: {  	[tilespmem:s6+$0x0] =	vst v5;
	v4 =	vadd.s32 v0, v4  }
0xcf: {  	[tilespmem:s6+$0x10] =	vst v4;
	v3 =	vadd.s32 v0, v3  }
0xd0: {  	[tilespmem:s6+$0x20] =	vst v3;
	v2 =	vadd.s32 v0, v2  }
0xd1: {  	[tilespmem:s6+$0x30] =	vst v2;
	v2 =	vadd.s32 v0, v6  }
0xd2: {  	s8 =	simm.s32 $0x0;
	[tilespmem:s6+$0x40] =	vst v2  }
0xd3: {  	[tilespmem:s0], [sflag:$0x1] =	stream.indirect.gather [hbm4b:s4+s31], $0x90, s8, s31, $0xb8;
	[tilespmem:$0x1C8A0] =	vst v63  }
0xd4: {  	_ =	swait.ge [sflag:s1], $0x2D00  }
0xd5: {  	[sflag:s1] =	ssyncset.done $0x0  }
0xd6: {  	s9 =	simm.s32 $0x7D0;
	[sflag:s1] =	ssyncadd.s32 $0xFFFFD300  }
0xd7: {  	[spmem:s2] =	stream.indirect.scatter.add.f32 [tilespmem:s0], [sflag:$0x2], $0x90, s9, s31, $0xb8;
	[tilespmem:$0x1C8A0] =	vst v63  }
0xd8: {  	_ =	swait.ge [sflag:s29], $0x2D00  }
0xd9: {  	s7 =	simm.s32 $0x280;
	s6 =	simm.s32 $0x140;
	[sflag:s29] =	ssyncset.done $0x0  }
.LBB2_14:
0xda: {  	s8 =	sshra.s32 s6, $0x2  }
0xdb: {  	[sflag:s29] =	ssyncadd.s32 $0xFFFFD300;
	s6 =	smov.u32 s7;
	s9 =	sadd.s32 $0x140, s7  }
0xdc: {  	[tilespmem:s0], [sflag:$0x1] =	stream.indirect.gather [hbm4b:s4+s31], $0x90, s8, s31, $0xb8;
	[tilespmem:$0x1C8A0] =	vst v63  }
0xdd: {  	p0 =	sne.s32 s7, $0x1E00;
	_ =	swait.ge [sflag:s1], $0x2D00  }
.Ltmp6:
0xde: {  	[sflag:s1] =	ssyncset.done $0x0;
	(pc) =	sbr.rel @p0 .LBB2_14-.Ltmp6, $4  }
0xdf: {  	s7 =	sadd.s32 $0x7D0, s8;
	[sflag:s1] =	ssyncadd.s32 $0xFFFFD300  }
0xe0: {  	[spmem:s2] =	stream.indirect.scatter.add.f32 [tilespmem:s0], [sflag:$0x2], $0x90, s7, s31, $0xb8;
	[tilespmem:$0x1C8A0] =	vst v63  }
0xe1: {  	_ =	swait.ge [sflag:s29], $0x2D00  }
0xe2: {  	s7 =	smov.u32 s9;
	[sflag:s29] =	ssyncset.done $0x0  }
0xe3: {  	s6 =	sshra.s32 s6, $0x2;
	[sflag:s29] =	ssyncadd.s32 $0xFFFFD300  }
0xe4: {  	[tilespmem:s0], [sflag:$0x1] =	stream.indirect.gather [hbm4b:s4+s31], $0x90, s6, s31, $0xb8;
	[tilespmem:$0x1C8A0] =	vst v63  }
0xe5: {  	_ =	swait.ge [sflag:s1], $0x2D00  }
0xe6: {  	[sflag:s1] =	ssyncset.done $0x0  }
0xe7: {  	s6 =	sadd.s32 $0x7D0, s6;
	[sflag:s1] =	ssyncadd.s32 $0xFFFFD300  }
0xe8: {  	[spmem:s2] =	stream.indirect.scatter.add.f32 [tilespmem:s0], [sflag:$0x2], $0x90, s6, s31, $0xb8;
	[tilespmem:$0x1C8A0] =	vst v63  }
0xe9: {  	_ =	swait.ge [sflag:s29], $0x2D00  }
0xea: {  	[sflag:s29] =	ssyncset.done $0x0  }
0xeb: {  	s9 =	simm.s32 $0x0;
	[sflag:s29] =	ssyncadd.s32 $0xFFFFD300  }
0xec: {  	[tilespmem:s9], [sflag:$0x2] =	stream.linear.gather [hbm4b:s17+s9], $0x7D0, $0x38;
	[tilespmem:$0x1C8A0] =	vst v63  }
0xed: {  	_ =	swait.ge [sflag:s29], $0x7D0  }
0xee: {  	[sflag:s29] =	ssyncset.done $0x0  }
0xef: {  	[sflag:s29] =	ssyncadd.s32 $0xFFFFF830  }
0xf0: {  	[tilespmem:s30], [sflag:$0x2] =	stream.linear.gather [hbm4b:s18+s9], $0x7D0, $0x38;
	[tilespmem:$0x1C8A0] =	vst v63  }
0xf1: {  	_ =	swait.ge [sflag:s29], $0x7D0  }
0xf2: {  	[sflag:s29] =	ssyncset.done $0x0  }
0xf3: {  	s6 =	simm.s32 $0x0;
	[sflag:s29] =	ssyncadd.s32 $0xFFFFF830  }
0xf4: {  	v5 =	vld [tilespmem:s6+$0x0]  }
0xf5: {  	v4 =	vld [tilespmem:s6+$0x10]  }
0xf6: {  	v3 =	vld [tilespmem:s6+$0x20]  }
0xf7: {  	s7 =	simm.s32 $0x140;
	v2 =	vld [tilespmem:s6+$0x30]  }
.LBB2_16:
0xf8: {  	p0 =	sne.s32 s7, $0x1E00;
	v6 =	vld [tilespmem:s6+$0x40]  }
0xf9: {  	v5 =	vadd.s32 v0, v5  }
.Ltmp7:
0xfa: {  	s8 =	sshra.s32 s7, $0x2;
	[tilespmem:s6+$0x0] =	vst v5;
	v4 =	vadd.s32 v0, v4;
	(pc) =	sbr.rel @p0 .LBB2_16-.Ltmp7, $4  }
0xfb: {  	v5 =	vld [tilespmem:s8+$0x0];
	[tilespmem:s6+$0x10] =	vst v4;
	v3 =	vadd.s32 v0, v3  }
0xfc: {  	v4 =	vld [tilespmem:s8+$0x10];
	[tilespmem:s6+$0x20] =	vst v3;
	v2 =	vadd.s32 v0, v2  }
0xfd: {  	v3 =	vld [tilespmem:s8+$0x20];
	[tilespmem:s6+$0x30] =	vst v2;
	v6 =	vadd.s32 v0, v6  }
0xfe: {  	s7 =	sadd.s32 $0x140, s7;
	v2 =	vld [tilespmem:s8+$0x30];
	[tilespmem:s6+$0x40] =	vst v6;
	s6 =	smov.u32 s8  }
0xff: {  	v6 =	vld [tilespmem:s6+$0x40]  }
0x100: {  	v5 =	vadd.s32 v0, v5  }
0x101: {  	[tilespmem:s6+$0x0] =	vst v5;
	v4 =	vadd.s32 v0, v4  }
0x102: {  	[tilespmem:s6+$0x10] =	vst v4;
	v3 =	vadd.s32 v0, v3  }
0x103: {  	[tilespmem:s6+$0x20] =	vst v3;
	v2 =	vadd.s32 v0, v2  }
0x104: {  	[tilespmem:s6+$0x30] =	vst v2;
	v2 =	vadd.s32 v0, v6  }
0x105: {  	s8 =	simm.s32 $0x0;
	[tilespmem:s6+$0x40] =	vst v2  }
0x106: {  	[tilespmem:s0], [sflag:$0x1] =	stream.indirect.gather [hbm4b:s4+s31], $0x90, s8, s31, $0xb8;
	[tilespmem:$0x1C8A0] =	vst v63  }
0x107: {  	_ =	swait.ge [sflag:s1], $0x2D00  }
0x108: {  	[sflag:s1] =	ssyncset.done $0x0  }
0x109: {  	s9 =	simm.s32 $0x7D0;
	[sflag:s1] =	ssyncadd.s32 $0xFFFFD300  }
0x10a: {  	[spmem:s2] =	stream.indirect.scatter.add.f32 [tilespmem:s0], [sflag:$0x2], $0x90, s9, s31, $0xb8;
	[tilespmem:$0x1C8A0] =	vst v63  }
0x10b: {  	_ =	swait.ge [sflag:s29], $0x2D00  }
0x10c: {  	s7 =	simm.s32 $0x280;
	s6 =	simm.s32 $0x140;
	[sflag:s29] =	ssyncset.done $0x0  }
.LBB2_18:
0x10d: {  	s8 =	sshra.s32 s6, $0x2  }
0x10e: {  	[sflag:s29] =	ssyncadd.s32 $0xFFFFD300;
	s6 =	smov.u32 s7;
	s9 =	sadd.s32 $0x140, s7  }
0x10f: {  	[tilespmem:s0], [sflag:$0x1] =	stream.indirect.gather [hbm4b:s4+s31], $0x90, s8, s31, $0xb8;
	[tilespmem:$0x1C8A0] =	vst v63  }
0x110: {  	p0 =	sne.s32 s7, $0x1E00;
	_ =	swait.ge [sflag:s1], $0x2D00  }
.Ltmp8:
0x111: {  	[sflag:s1] =	ssyncset.done $0x0;
	(pc) =	sbr.rel @p0 .LBB2_18-.Ltmp8, $4  }
0x112: {  	s7 =	sadd.s32 $0x7D0, s8;
	[sflag:s1] =	ssyncadd.s32 $0xFFFFD300  }
0x113: {  	[spmem:s2] =	stream.indirect.scatter.add.f32 [tilespmem:s0], [sflag:$0x2], $0x90, s7, s31, $0xb8;
	[tilespmem:$0x1C8A0] =	vst v63  }
0x114: {  	_ =	swait.ge [sflag:s29], $0x2D00  }
0x115: {  	s7 =	smov.u32 s9;
	[sflag:s29] =	ssyncset.done $0x0  }
0x116: {  	s6 =	sshra.s32 s6, $0x2;
	[sflag:s29] =	ssyncadd.s32 $0xFFFFD300  }
0x117: {  	[tilespmem:s0], [sflag:$0x1] =	stream.indirect.gather [hbm4b:s4+s31], $0x90, s6, s31, $0xb8;
	[tilespmem:$0x1C8A0] =	vst v63  }
0x118: {  	_ =	swait.ge [sflag:s1], $0x2D00  }
0x119: {  	[sflag:s1] =	ssyncset.done $0x0  }
0x11a: {  	s6 =	sadd.s32 $0x7D0, s6;
	[sflag:s1] =	ssyncadd.s32 $0xFFFFD300  }
0x11b: {  	[spmem:s2] =	stream.indirect.scatter.add.f32 [tilespmem:s0], [sflag:$0x2], $0x90, s6, s31, $0xb8;
	[tilespmem:$0x1C8A0] =	vst v63  }
0x11c: {  	_ =	swait.ge [sflag:s29], $0x2D00  }
0x11d: {  	[sflag:s29] =	ssyncset.done $0x0  }
0x11e: {  	s9 =	simm.s32 $0x0;
	[sflag:s29] =	ssyncadd.s32 $0xFFFFD300  }
0x11f: {  	[tilespmem:s9], [sflag:$0x2] =	stream.linear.gather [hbm4b:s19+s9], $0x7D0, $0x38;
	[tilespmem:$0x1C8A0] =	vst v63  }
0x120: {  	_ =	swait.ge [sflag:s29], $0x7D0  }
0x121: {  	[sflag:s29] =	ssyncset.done $0x0  }
0x122: {  	[sflag:s29] =	ssyncadd.s32 $0xFFFFF830  }
0x123: {  	[tilespmem:s30], [sflag:$0x2] =	stream.linear.gather [hbm4b:s20+s9], $0x7D0, $0x38;
	[tilespmem:$0x1C8A0] =	vst v63  }
0x124: {  	_ =	swait.ge [sflag:s29], $0x7D0  }
0x125: {  	[sflag:s29] =	ssyncset.done $0x0  }
0x126: {  	s6 =	simm.s32 $0x0;
	[sflag:s29] =	ssyncadd.s32 $0xFFFFF830  }
0x127: {  	v5 =	vld [tilespmem:s6+$0x0]  }
0x128: {  	v4 =	vld [tilespmem:s6+$0x10]  }
0x129: {  	v3 =	vld [tilespmem:s6+$0x20]  }
0x12a: {  	s7 =	simm.s32 $0x140;
	v2 =	vld [tilespmem:s6+$0x30]  }
.LBB2_20:
0x12b: {  	p0 =	sne.s32 s7, $0x1E00;
	v6 =	vld [tilespmem:s6+$0x40]  }
0x12c: {  	v5 =	vadd.s32 v0, v5  }
.Ltmp9:
0x12d: {  	s8 =	sshra.s32 s7, $0x2;
	[tilespmem:s6+$0x0] =	vst v5;
	v4 =	vadd.s32 v0, v4;
	(pc) =	sbr.rel @p0 .LBB2_20-.Ltmp9, $4  }
0x12e: {  	v5 =	vld [tilespmem:s8+$0x0];
	[tilespmem:s6+$0x10] =	vst v4;
	v3 =	vadd.s32 v0, v3  }
0x12f: {  	v4 =	vld [tilespmem:s8+$0x10];
	[tilespmem:s6+$0x20] =	vst v3;
	v2 =	vadd.s32 v0, v2  }
0x130: {  	v3 =	vld [tilespmem:s8+$0x20];
	[tilespmem:s6+$0x30] =	vst v2;
	v6 =	vadd.s32 v0, v6  }
0x131: {  	s7 =	sadd.s32 $0x140, s7;
	v2 =	vld [tilespmem:s8+$0x30];
	[tilespmem:s6+$0x40] =	vst v6;
	s6 =	smov.u32 s8  }
0x132: {  	v6 =	vld [tilespmem:s6+$0x40]  }
0x133: {  	v5 =	vadd.s32 v0, v5  }
0x134: {  	[tilespmem:s6+$0x0] =	vst v5;
	v4 =	vadd.s32 v0, v4  }
0x135: {  	[tilespmem:s6+$0x10] =	vst v4;
	v3 =	vadd.s32 v0, v3  }
0x136: {  	[tilespmem:s6+$0x20] =	vst v3;
	v2 =	vadd.s32 v0, v2  }
0x137: {  	[tilespmem:s6+$0x30] =	vst v2;
	v2 =	vadd.s32 v0, v6  }
0x138: {  	s8 =	simm.s32 $0x0;
	[tilespmem:s6+$0x40] =	vst v2  }
0x139: {  	[tilespmem:s0], [sflag:$0x1] =	stream.indirect.gather [hbm4b:s4+s31], $0x90, s8, s31, $0xb8;
	[tilespmem:$0x1C8A0] =	vst v63  }
0x13a: {  	_ =	swait.ge [sflag:s1], $0x2D00  }
0x13b: {  	[sflag:s1] =	ssyncset.done $0x0  }
0x13c: {  	s9 =	simm.s32 $0x7D0;
	[sflag:s1] =	ssyncadd.s32 $0xFFFFD300  }
0x13d: {  	[spmem:s2] =	stream.indirect.scatter.add.f32 [tilespmem:s0], [sflag:$0x2], $0x90, s9, s31, $0xb8;
	[tilespmem:$0x1C8A0] =	vst v63  }
0x13e: {  	_ =	swait.ge [sflag:s29], $0x2D00  }
0x13f: {  	s7 =	simm.s32 $0x280;
	s6 =	simm.s32 $0x140;
	[sflag:s29] =	ssyncset.done $0x0  }
.LBB2_22:
0x140: {  	s8 =	sshra.s32 s6, $0x2  }
0x141: {  	[sflag:s29] =	ssyncadd.s32 $0xFFFFD300;
	s6 =	smov.u32 s7;
	s9 =	sadd.s32 $0x140, s7  }
0x142: {  	[tilespmem:s0], [sflag:$0x1] =	stream.indirect.gather [hbm4b:s4+s31], $0x90, s8, s31, $0xb8;
	[tilespmem:$0x1C8A0] =	vst v63  }
0x143: {  	p0 =	sne.s32 s7, $0x1E00;
	_ =	swait.ge [sflag:s1], $0x2D00  }
.Ltmp10:
0x144: {  	[sflag:s1] =	ssyncset.done $0x0;
	(pc) =	sbr.rel @p0 .LBB2_22-.Ltmp10, $4  }
0x145: {  	s7 =	sadd.s32 $0x7D0, s8;
	[sflag:s1] =	ssyncadd.s32 $0xFFFFD300  }
0x146: {  	[spmem:s2] =	stream.indirect.scatter.add.f32 [tilespmem:s0], [sflag:$0x2], $0x90, s7, s31, $0xb8;
	[tilespmem:$0x1C8A0] =	vst v63  }
0x147: {  	_ =	swait.ge [sflag:s29], $0x2D00  }
0x148: {  	s7 =	smov.u32 s9;
	[sflag:s29] =	ssyncset.done $0x0  }
0x149: {  	s6 =	sshra.s32 s6, $0x2;
	[sflag:s29] =	ssyncadd.s32 $0xFFFFD300  }
0x14a: {  	[tilespmem:s0], [sflag:$0x1] =	stream.indirect.gather [hbm4b:s4+s31], $0x90, s6, s31, $0xb8;
	[tilespmem:$0x1C8A0] =	vst v63  }
0x14b: {  	_ =	swait.ge [sflag:s1], $0x2D00  }
0x14c: {  	[sflag:s1] =	ssyncset.done $0x0  }
0x14d: {  	s6 =	sadd.s32 $0x7D0, s6;
	[sflag:s1] =	ssyncadd.s32 $0xFFFFD300  }
0x14e: {  	[spmem:s2] =	stream.indirect.scatter.add.f32 [tilespmem:s0], [sflag:$0x2], $0x90, s6, s31, $0xb8;
	[tilespmem:$0x1C8A0] =	vst v63  }
0x14f: {  	s9 =	stileid.u32;
	_ =	swait.ge [sflag:s29], $0x2D00  }
0x150: {  	s7 =	sshrl.u32 s5, $0x3;
	s3 =	sadd.s32 $0x1, s3;
	[sflag:s29] =	ssyncset.done $0x0  }
0x151: {  	p0 =	sne.s32 s3, s26;
	s6 =	sshll.u32 s9, $0x6;
	[sflag:s29] =	ssyncadd.s32 $0xFFFFD300  }
.Ltmp11:
0x152: {  	s6 =	sor.u32 $0x1C02, s6;
	[bflag:$0x0] =	sbarrier.arrive $0xFFFF;
	(pc) =	sbr.rel @p0 .LBB2_1-.Ltmp11, $4  }
0x153: {  	[hbm:s25], [sflag:s6] =	dma.local [spmem:s7], $0x2D00  }
0x154: {  	_ =	swait.ge [sflag:s29], $0x2D00  }
0x155: {  	[sflag:s29] =	ssyncset.done $0x0  }
0x156: {  	[sflag:s29] =	ssyncadd.s32 $0xFFFFD300  }
0x157: {  	_ =	sfence.sel $0x180000  }
0x158: {  	[bflag:$0x0] =	sbarrier.arrive $0xFFFF  }
0x159: {  	_ =	strace $0x90000047  }
0x15a: {  	s0 =	stileid.u32;
	[bflag:$0x2] =	sbarrier.arrive $0xFFFF  }
0x15b: {  	p0 =	sne.s32 s0, $0x0;
	s0 =	rddreg [dreg:$0x3]  }
0x15c: {  	s0 =	sadd.s32 @!p0 $0x100000, s0  }
0x15d: {  	[sflag:s0] =	ssyncadd.tile.s32 @!p0 $0x1;
	_ =	shalt  }
.Lfunc_end2:
_tile_overlayer_lowered:
.L_overlay_start_2:
0x15e: {  	(tag) =	ssettag $0x2  }
0x15f: {  	s0 =	rddreg [dreg:$0x0];
	s2 =	stileid.u32  }
0x160: {  	s1 =	rddreg [dreg:$0x1];
	p0 =	sne.s32 s2, $0x0  }
0x161: {  	s3 =	rddreg [dreg:$0x2];
	[bflag:$0x3] =	sbarrier.arrive $0xFFFF;
	s2 =	simm.s32 @!p0 $0x1C02  }
0x162: {  	[timem:s3], [sflag:s2] =	dma.local @!p0 [hbm:s0], s1  }
0x163: {  	s0 =	simm.s32 @!p0 $0x2  }
0x164: {  	_ =	swait.ge @!p0 [sflag:s0], s1  }
0x165: {  	s1 =	ssub.s32 @!p0 $0x0, s1;
	[sflag:s0] =	ssyncset.done @!p0 $0x0  }
0x166: {  	[sflag:s0] =	ssyncadd.s32 @!p0 s1  }
0x167: {  	[bflag:$0x3] =	sbarrier.arrive $0xFFFF  }
0x168: {  	_ =	shalt  }

</sc_bundles>
